<compile_context>
chip_gen: v7x
topology: tpu7x:2x2x1
jax: 0.10.2.dev20260603
libtpu: 0.0.44.dev20260713+nightly
codegen_flags: <defaults>
</compile_context>

<pallas_src>
import jax
import jax.numpy as jnp
from jax import lax
from jax.experimental import pallas as pl
from jax.experimental.pallas import tpu as pltpu
from jax.experimental.pallas import tpu_sc as plsc

_N = 10000
_E = 320000
_D = 128
_NT = 16
_NC = 2
_NW = _NT * _NC
_N_PAD = 10240
_RPT = _N_PAD // _NT
_EB = 128
_NBW = 80
_NB_PAD = _NBW * _NW
_ZR = 16
_NBUF = 2

_PAD_DST = _N



def _deg_body(dst_hbm, out_hbm, didxb0, ones_v, zbuf, acc):
    c = lax.axis_index("c")
    s = lax.axis_index("s")
    w = s * _NC + c

    one16 = jnp.ones((16,), jnp.float32)
    zero16 = jnp.zeros((16,), jnp.float32)

    def fill(i, _):
        ones_v[i, :] = one16
        return 0
    lax.fori_loop(0, _EB, fill, 0)

    def zfill(i, _):
        zbuf[i, :] = zero16
        return 0
    lax.fori_loop(0, _ZR, zfill, 0)

    base = s * _RPT

    def zcopy(i, _):
        pltpu.sync_copy(zbuf, acc.at[pl.ds(base + i * _ZR, _ZR), :])
        return 0
    lax.fori_loop(0, _RPT // _ZR, zcopy, 0)
    plsc.subcore_barrier()

    ebase = w * _NBW * _EB

    def body(i, _):
        pltpu.sync_copy(dst_hbm.at[pl.ds(ebase + i * _EB, _EB)], didxb0)
        pltpu.sync_copy(ones_v, acc.at[didxb0], add=True)
        return 0
    lax.fori_loop(0, _NBW, body, 0)
    plsc.subcore_barrier()

    pltpu.sync_copy(acc.at[pl.ds(base, _RPT), :],
                    out_hbm.at[pl.ds(c * _N_PAD + base, _RPT), :])




_CH = 8
_NCH = _NBW // _CH


def _scat_body(g_hbm, src_hbm, dst_hbm, out_hbm, sslab, dslab,
               rows0, rows1, zbuf, acc, gsem0, gsem1):
    c = lax.axis_index("c")
    s = lax.axis_index("s")
    w = s * _NC + c

    zero16 = jnp.zeros((16,), jnp.float32)

    def zfill(i, _):
        r = i // (_D // 16)
        col = (i % (_D // 16)) * 16
        zbuf[r, pl.ds(col, 16)] = zero16
        return 0
    lax.fori_loop(0, _ZR * (_D // 16), zfill, 0)

    base = s * _RPT

    def zcopy(i, _):
        pltpu.sync_copy(zbuf, acc.at[pl.ds(base + i * _ZR, _ZR), :])
        return 0
    lax.fori_loop(0, _RPT // _ZR, zcopy, 0)
    plsc.subcore_barrier()

    rbase = w * _NBW
    rows = (rows0, rows1)
    gsems = (gsem0, gsem1)

    def chunk_body(r, _):
        r0 = rbase + r * _CH
        pltpu.sync_copy(src_hbm.at[pl.ds(r0, _CH), :], sslab)
        pltpu.sync_copy(dst_hbm.at[pl.ds(r0, _CH), :], dslab)
        for k in range(2):
            pltpu.async_copy(g_hbm.at[sslab.at[k]], rows[k], gsems[k])
        for j in range(_CH):
            k = j % 2
            pltpu.make_async_copy(g_hbm.at[sslab.at[j]], rows[k],
                                  gsems[k]).wait()
            pltpu.sync_copy(rows[k], acc.at[dslab.at[j]], add=True)
            if j + 2 < _CH:
                pltpu.async_copy(g_hbm.at[sslab.at[j + 2]], rows[k], gsems[k])
        return 0
    lax.fori_loop(0, _NCH, chunk_body, 0)
    plsc.subcore_barrier()

    pltpu.sync_copy(acc.at[pl.ds(base, _RPT), :],
                    out_hbm.at[pl.ds(c * _N_PAD + base, _RPT), :])


import functools


@functools.lru_cache(maxsize=None)
def _sc_kernels():
    mesh = plsc.VectorSubcoreMesh(core_axis_name="c", subcore_axis_name="s",
                                  num_cores=_NC, num_subcores=_NT)
    deg_call = pl.kernel(
        _deg_body,
        out_type=jax.ShapeDtypeStruct((2 * _N_PAD, 16), jnp.float32),
        mesh=mesh,
        scratch_types=[
            pltpu.VMEM((_EB,), jnp.int32),
            pltpu.VMEM((_EB, 16), jnp.float32),
            pltpu.VMEM((_ZR, 16), jnp.float32),
            pltpu.VMEM_SHARED((_N_PAD, 16), jnp.float32),
        ],
    )
    scat_call = pl.kernel(
        _scat_body,
        out_type=jax.ShapeDtypeStruct((2 * _N_PAD, _D), jnp.float32),
        mesh=mesh,
        scratch_types=(
            [pltpu.VMEM((_CH, _EB), jnp.int32)] * 2 +
            [pltpu.VMEM((_EB, _D), jnp.float32)] * 2 +
            [pltpu.VMEM((_ZR, _D), jnp.float32),
             pltpu.VMEM_SHARED((_N_PAD, _D), jnp.float32)] +
            [pltpu.SemaphoreType.DMA] * 2
        ),
    )
    return deg_call, scat_call


_BN = 640
_GRID = _N_PAD // _BN


def _tc_a_body(x_ref, w_ref, d0_ref, d1_ref, g_ref, dinv_ref):
    deg = d0_ref[:, 0:1] + d1_ref[:, 0:1] + 1.0
    dinv = lax.rsqrt(deg)
    h = jnp.dot(x_ref[:, :], w_ref[:, :], preferred_element_type=jnp.float32)
    g_ref[:, :] = dinv * h
    dinv_ref[:, :] = jnp.broadcast_to(dinv, (_BN, _D))


_tc_a = pl.pallas_call(
    _tc_a_body,
    grid=(_GRID,),
    in_specs=[
        pl.BlockSpec((_BN, _D), lambda i: (i, 0)),
        pl.BlockSpec((_D, _D), lambda i: (0, 0)),
        pl.BlockSpec((_BN, 16), lambda i: (i, 0)),
        pl.BlockSpec((_BN, 16), lambda i: (i, 0)),
    ],
    out_specs=[pl.BlockSpec((_BN, _D), lambda i: (i, 0))] * 2,
    out_shape=[jax.ShapeDtypeStruct((_N_PAD, _D), jnp.float32)] * 2,
)


def _tc_bc_body(s0_ref, s1_ref, g_ref, dinv_ref, b_ref, wn_ref, fl_ref,
                out_ref):
    comb = dinv_ref[:, :] * (s0_ref[:, :] + s1_ref[:, :] + g_ref[:, :])
    comb = comb + b_ref[:, :]
    h = jnp.dot(comb, wn_ref[:, :], preferred_element_type=jnp.float32)
    mult = fl_ref[:, :] + (1.0 - fl_ref[:, :]) * dinv_ref[:, :]
    out_ref[:, :] = mult * h


_tc_bc = pl.pallas_call(
    _tc_bc_body,
    grid=(_GRID,),
    in_specs=[
        pl.BlockSpec((_BN, _D), lambda i: (i, 0)),
        pl.BlockSpec((_BN, _D), lambda i: (i, 0)),
        pl.BlockSpec((_BN, _D), lambda i: (i, 0)),
        pl.BlockSpec((_BN, _D), lambda i: (i, 0)),
        pl.BlockSpec((1, _D), lambda i: (0, 0)),
        pl.BlockSpec((_D, _D), lambda i: (0, 0)),
        pl.BlockSpec((1, _D), lambda i: (0, 0)),
    ],
    out_specs=pl.BlockSpec((_BN, _D), lambda i: (i, 0)),
    out_shape=jax.ShapeDtypeStruct((_N_PAD, _D), jnp.float32),
)


def kernel(x, adj_t, W1, b1, W2, b2):
    src = adj_t[0]
    dst = adj_t[1]
    pad_e = _NB_PAD * _EB - _E
    cyc = jnp.arange(pad_e, dtype=dst.dtype)
    src1 = jnp.concatenate([src, cyc % _N])
    dst1 = jnp.concatenate([dst, _PAD_DST + cyc % (_N_PAD - _N)])
    xp = jnp.pad(x, ((0, _N_PAD - _N), (0, 0)))

    _deg_call, _scat_call = _sc_kernels()
    degp = _deg_call(dst1)
    d0 = degp[:_N_PAD]
    d1 = degp[_N_PAD:]

    g1, dinvb = _tc_a(xp, W1, d0, d1)

    wn = jnp.stack([W2, jnp.eye(_D, dtype=jnp.float32)])
    bs = jnp.stack([b1.reshape(1, _D), b2.reshape(1, _D)])
    fls = jnp.stack([jnp.zeros((1, _D), jnp.float32),
                     jnp.ones((1, _D), jnp.float32)])

    src2 = src1.reshape(_NB_PAD, _EB)
    dst2 = dst1.reshape(_NB_PAD, _EB)

    def layer(g, xs):
        wn_i, b_i, fl_i = xs
        s = _scat_call(g, src2, dst2)
        g_next = _tc_bc(s[:_N_PAD], s[_N_PAD:], g, dinvb, b_i, wn_i, fl_i)
        return g_next, None

    out, _ = lax.scan(layer, g1, (wn, bs, fls))
    return out[:_N]

# --- scband reference (transcript-rebuilt; emitter-appended) ---
"""Pipeline reference for scband-gcnencoder-63565515981005 (READ-ONLY COPY).

The authoritative reference and input builder live on the scoring server;
editing this copy changes nothing except your own understanding.
"""

import jax, jax.numpy as jnp
import numpy as np

N = 10000
E = 320000
D = 128


def setup_inputs(seed: int = 0) -> dict:
    key = jax.random.key(seed)
    k1, k2, k3, k4, k5, k6 = jax.random.split(key, 6)
    x = jax.random.normal(k1, (N, D), dtype=jnp.float32)
    adj_t = jax.random.randint(k2, (2, E), 0, N, dtype=jnp.int32)
    W1 = jax.random.normal(k3, (D, D), dtype=jnp.float32) * 0.05
    b1 = jnp.zeros((D,), dtype=jnp.float32)
    W2 = jax.random.normal(k4, (D, D), dtype=jnp.float32) * 0.05
    b2 = jnp.zeros((D,), dtype=jnp.float32)
    return {"x": x, "adj_t": adj_t, "W1": W1, "b1": b1, "W2": W2, "b2": b2}


def _gcn_conv(x, edge_index, W, b):
    n = x.shape[0]
    src = edge_index[0]
    dst = edge_index[1]
    loop = jnp.arange(n, dtype=src.dtype)
    src = jnp.concatenate([src, loop], axis=0)
    dst = jnp.concatenate([dst, loop], axis=0)
    h = x @ W
    ones = jnp.ones(dst.shape[0], dtype=h.dtype)
    deg = jax.ops.segment_sum(ones, dst, num_segments=n)
    dinv = jnp.where(deg > 0, jax.lax.rsqrt(jnp.maximum(deg, 1e-12)), 0.0)
    norm = dinv[src] * dinv[dst]
    msgs = h[src] * norm[:, None]
    out = jax.ops.segment_sum(msgs, dst, num_segments=n)
    return out + b


def reference(x, adj_t, W1, b1, W2, b2):
    h = _gcn_conv(x, adj_t, W1, b1)
    h = _gcn_conv(h, adj_t, W2, b2)
    return h

if __name__ == "__main__":
    import jax
    _d = setup_inputs()
    print(jax.jit(kernel)(*tuple(_d.values())))

</pallas_src>

<mosaic_0001>
#map = affine_map<(d0, d1) -> (0)>
#map1 = affine_map<(d0, d1) -> (0, 0)>
module attributes {stable_mosaic.version = 14 : i64} {
  func.func @_deg_body(%arg0: i32, %arg1: i32, %arg2: memref<327680xi32, #tpu.memory_space<hbm>>, %arg3: memref<20480x16xf32, #tpu.memory_space<hbm>>, %arg4: memref<128xi32, #tpu.memory_space<vmem>>, %arg5: memref<128x16xf32, #tpu.memory_space<vmem>>, %arg6: memref<16x16xf32, #tpu.memory_space<vmem>>, %arg7: memref<10240x16xf32, #tpu.memory_space<vmem_shared>>) attributes {dimension_semantics = [#tpu.dimension_semantics<core_parallel>, #tpu.dimension_semantics<subcore_parallel>], iteration_bounds = array<i64: 2, 16>, scalar_prefetch = 0 : i64, scratch_operands = 4 : i64, tpu.core_type = #tpu.core_type<sc_vector_subcore>, window_params = [{transform_indices = #map}, {transform_indices = #map1}]} {
    %mul3A = arith.constant 2 : i32
    %mul3A_0 = arith.muli %arg1, %mul3A : i32
    %add3A = arith.addi %mul3A_0, %arg0 : i32
    %broadcast_in_dim3A = arith.constant 1.000000e+00 : f32
    %broadcast_in_dim3A_1 = vector.broadcast %broadcast_in_dim3A : f32 to vector<16xf32>
    %broadcast_in_dim3A_2 = arith.constant 0.000000e+00 : f32
    %broadcast_in_dim3A_3 = vector.broadcast %broadcast_in_dim3A_2 : f32 to vector<16xf32>
    %scan3A = arith.constant 0 : i32
    %scan3A_4 = arith.constant 0 : i32
    %scan3A_5 = arith.constant 128 : i32
    %scan3A_6 = arith.addi %scan3A_4, %scan3A_5 : i32
    %scan3A_7 = arith.constant 1 : i32
    %scan3A_8 = scf.for %scan3A_41 = %scan3A_4 to %scan3A_6 step %scan3A_7 iter_args(%scan3A_42 = %scan3A) -> (i32)  : i32 {
      %swap3A = arith.index_cast %scan3A_41 : i32 to index
      %swap3A_43 = arith.constant 0 : index
      %swap3A_44 = tpu.vector_load %arg5[%swap3A, %swap3A_43] {strides = array<i32>} : memref<128x16xf32, #tpu.memory_space<vmem>>, vector<1x16xf32>,
      %swap3A_45 = vector.shape_cast %swap3A_44 : vector<1x16xf32> to vector<16xf32>
      %swap3A_46 = vector.shape_cast %broadcast_in_dim3A_1 : vector<16xf32> to vector<1x16xf32>
      tpu.vector_store %arg5[%swap3A, %swap3A_43], %swap3A_46 {strides = array<i32>} : memref<128x16xf32, #tpu.memory_space<vmem>>, vector<1x16xf32>,
      %scan3A_47 = arith.constant 0 : i32
      scf.yield %scan3A_47 : i32
    }
    %scan3A_9 = arith.constant 128 : i32
    %scan3A_10 = arith.constant 0 : i32
    %scan3A_11 = arith.constant 0 : i32
    %scan3A_12 = arith.constant 16 : i32
    %scan3A_13 = arith.addi %scan3A_11, %scan3A_12 : i32
    %scan3A_14 = arith.constant 1 : i32
    %scan3A_15 = scf.for %scan3A_41 = %scan3A_11 to %scan3A_13 step %scan3A_14 iter_args(%scan3A_42 = %scan3A_10) -> (i32)  : i32 {
      %swap3A = arith.index_cast %scan3A_41 : i32 to index
      %swap3A_43 = arith.constant 0 : index
      %swap3A_44 = tpu.vector_load %arg6[%swap3A, %swap3A_43] {strides = array<i32>} : memref<16x16xf32, #tpu.memory_space<vmem>>, vector<1x16xf32>,
      %swap3A_45 = vector.shape_cast %swap3A_44 : vector<1x16xf32> to vector<16xf32>
      %swap3A_46 = vector.shape_cast %broadcast_in_dim3A_3 : vector<16xf32> to vector<1x16xf32>
      tpu.vector_store %arg6[%swap3A, %swap3A_43], %swap3A_46 {strides = array<i32>} : memref<16x16xf32, #tpu.memory_space<vmem>>, vector<1x16xf32>,
      %scan3A_47 = arith.constant 0 : i32
      scf.yield %scan3A_47 : i32
    }
    %scan3A_16 = arith.constant 16 : i32
    %mul3A_17 = arith.constant 640 : i32
    %mul3A_18 = arith.muli %arg1, %mul3A_17 : i32
    %scan3A_19 = arith.constant 0 : i32
    %scan3A_20 = arith.constant 0 : i32
    %scan3A_21 = arith.constant 40 : i32
    %scan3A_22 = arith.addi %scan3A_20, %scan3A_21 : i32
    %scan3A_23 = arith.constant 1 : i32
    %scan3A_24 = scf.for %scan3A_41 = %scan3A_20 to %scan3A_22 step %scan3A_23 iter_args(%scan3A_42 = %scan3A_19) -> (i32)  : i32 {
      %mul3A_43 = arith.constant 16 : i32
      %mul3A_44 = arith.muli %scan3A_41, %mul3A_43 : i32
      %add3A_45 = arith.addi %mul3A_18, %mul3A_44 : i32
      "tpu.region"() ({
        %run_scoped3A = tpu.sem_alloc : memref<!tpu.dma_semaphore, #tpu.memory_space<semaphore_mem>>
        %dma_start3A = arith.constant 0 : i32
        %dma_start3A_47 = tpu.memref_slice %arg7[%add3A_45, %dma_start3A] : memref<10240x16xf32, #tpu.memory_space<vmem_shared>> -> memref<16x16xf32, #tpu.memory_space<vmem_shared>>
        %dma_start3A_48 = arith.constant 0 : i32
        %dma_start3A_49 = tpu.memref_slice %arg7[%add3A_45, %dma_start3A_48] : memref<10240x16xf32, #tpu.memory_space<vmem_shared>> -> memref<16x16xf32, #tpu.memory_space<vmem_shared>>
        tpu.enqueue_dma source(%arg6 : memref<16x16xf32, #tpu.memory_space<vmem>>) target(%dma_start3A_49 : memref<16x16xf32, #tpu.memory_space<vmem_shared>>) target_semaphore(%run_scoped3A : memref<!tpu.dma_semaphore, #tpu.memory_space<semaphore_mem>>)
        %dma_wait3A = arith.constant 0 : i32
        %dma_wait3A_50 = tpu.memref_slice %arg7[%add3A_45, %dma_wait3A] : memref<10240x16xf32, #tpu.memory_space<vmem_shared>> -> memref<16x16xf32, #tpu.memory_space<vmem_shared>>
        %dma_wait3A_51 = arith.constant 0 : i32
        %dma_wait3A_52 = tpu.memref_slice %arg7[%add3A_45, %dma_wait3A_51] : memref<10240x16xf32, #tpu.memory_space<vmem_shared>> -> memref<16x16xf32, #tpu.memory_space<vmem_shared>>
        tpu.wait_dma2 semaphore(%run_scoped3A : memref<!tpu.dma_semaphore, #tpu.memory_space<semaphore_mem>>) src(%arg6 : memref<16x16xf32, #tpu.memory_space<vmem>>) dst(%dma_wait3A_52 : memref<16x16xf32, #tpu.memory_space<vmem_shared>>)
        tpu.yield
      }) : () -> ()
      %scan3A_46 = arith.constant 0 : i32
      scf.yield %scan3A_46 : i32
    }
    %scan3A_25 = arith.constant 40 : i32
    %barrier3A = arith.constant 0 : index
    tpu.barrier barrier_id(%barrier3A)
    %mul3A_26 = arith.constant 80 : i32
    %mul3A_27 = arith.muli %add3A, %mul3A_26 : i32
    %mul3A_28 = arith.constant 128 : i32
    %mul3A_29 = arith.muli %mul3A_27, %mul3A_28 : i32
    %scan3A_30 = arith.constant 0 : i32
    %scan3A_31 = arith.constant 0 : i32
    %scan3A_32 = arith.constant 80 : i32
    %scan3A_33 = arith.addi %scan3A_31, %scan3A_32 : i32
    %scan3A_34 = arith.constant 1 : i32
    %scan3A_35 = scf.for %scan3A_41 = %scan3A_31 to %scan3A_33 step %scan3A_34 iter_args(%scan3A_42 = %scan3A_30) -> (i32)  : i32 {
      %mul3A_43 = arith.constant 128 : i32
      %mul3A_44 = arith.muli %scan3A_41, %mul3A_43 : i32
      %add3A_45 = arith.addi %mul3A_29, %mul3A_44 : i32
      "tpu.region"() ({
        %run_scoped3A = tpu.sem_alloc : memref<!tpu.dma_semaphore, #tpu.memory_space<semaphore_mem>>
        %dma_start3A = tpu.memref_slice %arg2[%add3A_45] : memref<327680xi32, #tpu.memory_space<hbm>> -> memref<128xi32, #tpu.memory_space<hbm>>
        %dma_start3A_47 = tpu.memref_slice %arg2[%add3A_45] : memref<327680xi32, #tpu.memory_space<hbm>> -> memref<128xi32, #tpu.memory_space<hbm>>
        tpu.enqueue_dma source(%dma_start3A_47 : memref<128xi32, #tpu.memory_space<hbm>>) target(%arg4 : memref<128xi32, #tpu.memory_space<vmem>>) target_semaphore(%run_scoped3A : memref<!tpu.dma_semaphore, #tpu.memory_space<semaphore_mem>>)
        %dma_wait3A = tpu.memref_slice %arg2[%add3A_45] : memref<327680xi32, #tpu.memory_space<hbm>> -> memref<128xi32, #tpu.memory_space<hbm>>
        %dma_wait3A_48 = tpu.memref_slice %arg2[%add3A_45] : memref<327680xi32, #tpu.memory_space<hbm>> -> memref<128xi32, #tpu.memory_space<hbm>>
        tpu.wait_dma2 semaphore(%run_scoped3A : memref<!tpu.dma_semaphore, #tpu.memory_space<semaphore_mem>>) src(%dma_wait3A_48 : memref<128xi32, #tpu.memory_space<hbm>>) dst(%arg4 : memref<128xi32, #tpu.memory_space<vmem>>)
        tpu.yield
      }) : () -> ()
      "tpu.region"() ({
        %run_scoped3A = tpu.sem_alloc : memref<!tpu.dma_semaphore, #tpu.memory_space<semaphore_mem>>
        %dma_start3A = arith.constant 0 : i32
        %dma_start3A_47 = arith.constant 0 : i32
        %dma_start3A_48 = tpu.memref_slice %arg7[%dma_start3A, %dma_start3A_47] : memref<10240x16xf32, #tpu.memory_space<vmem_shared>> -> memref<10240x16xf32, #tpu.memory_space<vmem_shared>>
        tpu.enqueue_indirect_dma source(%arg5 : memref<128x16xf32, #tpu.memory_space<vmem>>) target(%dma_start3A_48 : memref<10240x16xf32, #tpu.memory_space<vmem_shared>>) offsets(%arg4 : memref<128xi32, #tpu.memory_space<vmem>>) semaphore(%run_scoped3A : memref<!tpu.dma_semaphore, #tpu.memory_space<semaphore_mem>>) {add = true}
        %dma_wait3A = arith.constant 0 : i32
        %dma_wait3A_49 = arith.constant 0 : i32
        %dma_wait3A_50 = tpu.memref_slice %arg7[%dma_wait3A, %dma_wait3A_49] : memref<10240x16xf32, #tpu.memory_space<vmem_shared>> -> memref<10240x16xf32, #tpu.memory_space<vmem_shared>>
        tpu.wait_indirect_dma semaphore(%run_scoped3A : memref<!tpu.dma_semaphore, #tpu.memory_space<semaphore_mem>>) src(%arg5 : memref<128x16xf32, #tpu.memory_space<vmem>>) dst(%dma_wait3A_50 : memref<10240x16xf32, #tpu.memory_space<vmem_shared>>)
        tpu.yield
      }) : () -> ()
      %scan3A_46 = arith.constant 0 : i32
      scf.yield %scan3A_46 : i32
    }
    %scan3A_36 = arith.constant 80 : i32
    %barrier3A_37 = arith.constant 0 : index
    tpu.barrier barrier_id(%barrier3A_37)
    %mul3A_38 = arith.constant 10240 : i32
    %mul3A_39 = arith.muli %arg0, %mul3A_38 : i32
    %add3A_40 = arith.addi %mul3A_39, %mul3A_18 : i32
    "tpu.region"() ({
      %run_scoped3A = tpu.sem_alloc : memref<!tpu.dma_semaphore, #tpu.memory_space<semaphore_mem>>
      %dma_start3A = arith.constant 0 : i32
      %dma_start3A_41 = tpu.memref_slice %arg3[%add3A_40, %dma_start3A] : memref<20480x16xf32, #tpu.memory_space<hbm>> -> memref<640x16xf32, #tpu.memory_space<hbm>>
      %dma_start3A_42 = arith.constant 0 : i32
      %dma_start3A_43 = tpu.memref_slice %arg7[%mul3A_18, %dma_start3A_42] : memref<10240x16xf32, #tpu.memory_space<vmem_shared>> -> memref<640x16xf32, #tpu.memory_space<vmem_shared>>
      tpu.enqueue_dma source(%dma_start3A_43 : memref<640x16xf32, #tpu.memory_space<vmem_shared>>) target(%dma_start3A_41 : memref<640x16xf32, #tpu.memory_space<hbm>>) target_semaphore(%run_scoped3A : memref<!tpu.dma_semaphore, #tpu.memory_space<semaphore_mem>>)
      %dma_wait3A = arith.constant 0 : i32
      %dma_wait3A_44 = tpu.memref_slice %arg3[%add3A_40, %dma_wait3A] : memref<20480x16xf32, #tpu.memory_space<hbm>> -> memref<640x16xf32, #tpu.memory_space<hbm>>
      %dma_wait3A_45 = arith.constant 0 : i32
      %dma_wait3A_46 = tpu.memref_slice %arg7[%mul3A_18, %dma_wait3A_45] : memref<10240x16xf32, #tpu.memory_space<vmem_shared>> -> memref<640x16xf32, #tpu.memory_space<vmem_shared>>
      tpu.wait_dma2 semaphore(%run_scoped3A : memref<!tpu.dma_semaphore, #tpu.memory_space<semaphore_mem>>) src(%dma_wait3A_46 : memref<640x16xf32, #tpu.memory_space<vmem_shared>>) dst(%dma_wait3A_44 : memref<640x16xf32, #tpu.memory_space<hbm>>)
      tpu.yield
    }) : () -> ()
    return
  }
}

#map = affine_map<(d0, d1) -> (0, 0)>
module attributes {stable_mosaic.version = 14 : i64} {
  func.func @_scat_body(%arg0: i32, %arg1: i32, %arg2: memref<10240x128xf32, #tpu.memory_space<hbm>>, %arg3: memref<2560x128xi32, #tpu.memory_space<hbm>>, %arg4: memref<2560x128xi32, #tpu.memory_space<hbm>>, %arg5: memref<20480x128xf32, #tpu.memory_space<hbm>>, %arg6: memref<8x128xi32, #tpu.memory_space<vmem>>, %arg7: memref<8x128xi32, #tpu.memory_space<vmem>>, %arg8: memref<128x128xf32, #tpu.memory_space<vmem>>, %arg9: memref<128x128xf32, #tpu.memory_space<vmem>>, %arg10: memref<16x128xf32, #tpu.memory_space<vmem>>, %arg11: memref<10240x128xf32, #tpu.memory_space<vmem_shared>>, %arg12: memref<!tpu.dma_semaphore, #tpu.memory_space<semaphore_mem>>, %arg13: memref<!tpu.dma_semaphore, #tpu.memory_space<semaphore_mem>>) attributes {dimension_semantics = [#tpu.dimension_semantics<core_parallel>, #tpu.dimension_semantics<subcore_parallel>], iteration_bounds = array<i64: 2, 16>, scalar_prefetch = 0 : i64, scratch_operands = 8 : i64, tpu.core_type = #tpu.core_type<sc_vector_subcore>, window_params = [{transform_indices = #map}, {transform_indices = #map}, {transform_indices = #map}, {transform_indices = #map}]} {
    %mul3A = arith.constant 2 : i32
    %mul3A_0 = arith.muli %arg1, %mul3A : i32
    %add3A = arith.addi %mul3A_0, %arg0 : i32
    %broadcast_in_dim3A = arith.constant 0.000000e+00 : f32
    %broadcast_in_dim3A_1 = vector.broadcast %broadcast_in_dim3A : f32 to vector<16xf32>
    %scan3A = arith.constant 0 : i32
    %scan3A_2 = arith.constant 0 : i32
    %scan3A_3 = arith.constant 128 : i32
    %scan3A_4 = arith.addi %scan3A_2, %scan3A_3 : i32
    %scan3A_5 = arith.constant 1 : i32
    %scan3A_6 = scf.for %scan3A_30 = %scan3A_2 to %scan3A_4 step %scan3A_5 iter_args(%scan3A_31 = %scan3A) -> (i32)  : i32 {
      %jit3A = arith.constant 8 : i32
      %div3A = arith.divsi %scan3A_30, %jit3A : i32
      %sign3A = arith.constant 0 : i32
      %sign3A_32 = arith.cmpi sgt, %scan3A_30, %sign3A : i32
      %sign3A_33 = arith.extui %sign3A_32 : i1 to i32
      %sign3A_34 = arith.constant 0 : i32
      %sign3A_35 = arith.cmpi slt, %scan3A_30, %sign3A_34 : i32
      %sign3A_36 = arith.extui %sign3A_35 : i1 to i32
      %sign3A_37 = arith.subi %sign3A_33, %sign3A_36 : i32
      %sign3A_38 = arith.constant 0 : i32
      %sign3A_39 = arith.cmpi sgt, %jit3A, %sign3A_38 : i32
      %sign3A_40 = arith.extui %sign3A_39 : i1 to i32
      %sign3A_41 = arith.constant 0 : i32
      %sign3A_42 = arith.cmpi slt, %jit3A, %sign3A_41 : i32
      %sign3A_43 = arith.extui %sign3A_42 : i1 to i32
      %sign3A_44 = arith.subi %sign3A_40, %sign3A_43 : i32
      %ne3A = arith.cmpi ne, %sign3A_37, %sign3A_44 : i32
      %rem3A = arith.remsi %scan3A_30, %jit3A : i32
      %ne3A_45 = arith.constant 0 : i32
      %ne3A_46 = arith.cmpi ne, %rem3A, %ne3A_45 : i32
      %and3A = arith.andi %ne3A, %ne3A_46 : i1
      %sub3A = arith.constant 1 : i32
      %sub3A_47 = arith.subi %div3A, %sub3A : i32
      %select_n3A = arith.select %and3A, %sub3A_47, %div3A : i32
      %jit3A_48 = arith.constant 8 : i32
      %eq3A = arith.constant 0 : i32
      %eq3A_49 = arith.cmpi eq, %jit3A_48, %eq3A : i32
      %jit3A_50 = arith.constant 1 : i32
      %select_n3A_51 = arith.select %eq3A_49, %jit3A_50, %jit3A_48 : i32
      %rem3A_52 = arith.remsi %scan3A_30, %select_n3A_51 : i32
      %ne3A_53 = arith.constant 0 : i32
      %ne3A_54 = arith.cmpi ne, %rem3A_52, %ne3A_53 : i32
      %lt3A = arith.constant 0 : i32
      %lt3A_55 = arith.cmpi slt, %rem3A_52, %lt3A : i32
      %lt3A_56 = arith.constant 0 : i32
      %lt3A_57 = arith.cmpi slt, %select_n3A_51, %lt3A_56 : i32
      %ne3A_58 = arith.xori %lt3A_55, %lt3A_57 : i1
      %and3A_59 = arith.andi %ne3A_58, %ne3A_54 : i1
      %add3A_60 = arith.addi %rem3A_52, %select_n3A_51 : i32
      %select_n3A_61 = arith.select %and3A_59, %add3A_60, %rem3A_52 : i32
      %mul3A_62 = arith.constant 16 : i32
      %mul3A_63 = arith.muli %select_n3A_61, %mul3A_62 : i32
      %swap3A = arith.index_cast %select_n3A : i32 to index
      %swap3A_64 = arith.index_cast %mul3A_63 : i32 to index
      %swap3A_65 = tpu.vector_load %arg10[%swap3A, %swap3A_64] {strides = array<i32>} : memref<16x128xf32, #tpu.memory_space<vmem>>, vector<1x16xf32>,
      %swap3A_66 = vector.shape_cast %swap3A_65 : vector<1x16xf32> to vector<16xf32>
      %swap3A_67 = vector.shape_cast %broadcast_in_dim3A_1 : vector<16xf32> to vector<1x16xf32>
      tpu.vector_store %arg10[%swap3A, %swap3A_64], %swap3A_67 {strides = array<i32>} : memref<16x128xf32, #tpu.memory_space<vmem>>, vector<1x16xf32>,
      %scan3A_68 = arith.constant 0 : i32
      scf.yield %scan3A_68 : i32
    }
    %scan3A_7 = arith.constant 128 : i32
    %mul3A_8 = arith.constant 640 : i32
    %mul3A_9 = arith.muli %arg1, %mul3A_8 : i32
    %scan3A_10 = arith.constant 0 : i32
    %scan3A_11 = arith.constant 0 : i32
    %scan3A_12 = arith.constant 40 : i32
    %scan3A_13 = arith.addi %scan3A_11, %scan3A_12 : i32
    %scan3A_14 = arith.constant 1 : i32
    %scan3A_15 = scf.for %scan3A_30 = %scan3A_11 to %scan3A_13 step %scan3A_14 iter_args(%scan3A_31 = %scan3A_10) -> (i32)  : i32 {
      %mul3A_32 = arith.constant 16 : i32
      %mul3A_33 = arith.muli %scan3A_30, %mul3A_32 : i32
      %add3A_34 = arith.addi %mul3A_9, %mul3A_33 : i32
      "tpu.region"() ({
        %run_scoped3A = tpu.sem_alloc : memref<!tpu.dma_semaphore, #tpu.memory_space<semaphore_mem>>
        %dma_start3A = arith.constant 0 : i32
        %dma_start3A_36 = tpu.memref_slice %arg11[%add3A_34, %dma_start3A] : memref<10240x128xf32, #tpu.memory_space<vmem_shared>> -> memref<16x128xf32, #tpu.memory_space<vmem_shared>>
        %dma_start3A_37 = arith.constant 0 : i32
        %dma_start3A_38 = tpu.memref_slice %arg11[%add3A_34, %dma_start3A_37] : memref<10240x128xf32, #tpu.memory_space<vmem_shared>> -> memref<16x128xf32, #tpu.memory_space<vmem_shared>>
        tpu.enqueue_dma source(%arg10 : memref<16x128xf32, #tpu.memory_space<vmem>>) target(%dma_start3A_38 : memref<16x128xf32, #tpu.memory_space<vmem_shared>>) target_semaphore(%run_scoped3A : memref<!tpu.dma_semaphore, #tpu.memory_space<semaphore_mem>>)
        %dma_wait3A = arith.constant 0 : i32
        %dma_wait3A_39 = tpu.memref_slice %arg11[%add3A_34, %dma_wait3A] : memref<10240x128xf32, #tpu.memory_space<vmem_shared>> -> memref<16x128xf32, #tpu.memory_space<vmem_shared>>
        %dma_wait3A_40 = arith.constant 0 : i32
        %dma_wait3A_41 = tpu.memref_slice %arg11[%add3A_34, %dma_wait3A_40] : memref<10240x128xf32, #tpu.memory_space<vmem_shared>> -> memref<16x128xf32, #tpu.memory_space<vmem_shared>>
        tpu.wait_dma2 semaphore(%run_scoped3A : memref<!tpu.dma_semaphore, #tpu.memory_space<semaphore_mem>>) src(%arg10 : memref<16x128xf32, #tpu.memory_space<vmem>>) dst(%dma_wait3A_41 : memref<16x128xf32, #tpu.memory_space<vmem_shared>>)
        tpu.yield
      }) : () -> ()
      %scan3A_35 = arith.constant 0 : i32
      scf.yield %scan3A_35 : i32
    }
    %scan3A_16 = arith.constant 40 : i32
    %barrier3A = arith.constant 0 : index
    tpu.barrier barrier_id(%barrier3A)
    %mul3A_17 = arith.constant 80 : i32
    %mul3A_18 = arith.muli %add3A, %mul3A_17 : i32
    %scan3A_19 = arith.constant 0 : i32
    %scan3A_20 = arith.constant 0 : i32
    %scan3A_21 = arith.constant 10 : i32
    %scan3A_22 = arith.addi %scan3A_20, %scan3A_21 : i32
    %scan3A_23 = arith.constant 1 : i32
    %scan3A_24 = scf.for %scan3A_30 = %scan3A_20 to %scan3A_22 step %scan3A_23 iter_args(%scan3A_31 = %scan3A_19) -> (i32)  : i32 {
      %mul3A_32 = arith.constant 8 : i32
      %mul3A_33 = arith.muli %scan3A_30, %mul3A_32 : i32
      %add3A_34 = arith.addi %mul3A_18, %mul3A_33 : i32
      "tpu.region"() ({
        %run_scoped3A_153 = tpu.sem_alloc : memref<!tpu.dma_semaphore, #tpu.memory_space<semaphore_mem>>
        %dma_start3A_154 = arith.constant 0 : i32
        %dma_start3A_155 = tpu.memref_slice %arg3[%add3A_34, %dma_start3A_154] : memref<2560x128xi32, #tpu.memory_space<hbm>> -> memref<8x128xi32, #tpu.memory_space<hbm>>
        %dma_start3A_156 = arith.constant 0 : i32
        %dma_start3A_157 = tpu.memref_slice %arg3[%add3A_34, %dma_start3A_156] : memref<2560x128xi32, #tpu.memory_space<hbm>> -> memref<8x128xi32, #tpu.memory_space<hbm>>
        tpu.enqueue_dma source(%dma_start3A_157 : memref<8x128xi32, #tpu.memory_space<hbm>>) target(%arg6 : memref<8x128xi32, #tpu.memory_space<vmem>>) target_semaphore(%run_scoped3A_153 : memref<!tpu.dma_semaphore, #tpu.memory_space<semaphore_mem>>)
        %dma_wait3A_158 = arith.constant 0 : i32
        %dma_wait3A_159 = tpu.memref_slice %arg3[%add3A_34, %dma_wait3A_158] : memref<2560x128xi32, #tpu.memory_space<hbm>> -> memref<8x128xi32, #tpu.memory_space<hbm>>
        %dma_wait3A_160 = arith.constant 0 : i32
        %dma_wait3A_161 = tpu.memref_slice %arg3[%add3A_34, %dma_wait3A_160] : memref<2560x128xi32, #tpu.memory_space<hbm>> -> memref<8x128xi32, #tpu.memory_space<hbm>>
        tpu.wait_dma2 semaphore(%run_scoped3A_153 : memref<!tpu.dma_semaphore, #tpu.memory_space<semaphore_mem>>) src(%dma_wait3A_161 : memref<8x128xi32, #tpu.memory_space<hbm>>) dst(%arg6 : memref<8x128xi32, #tpu.memory_space<vmem>>)
        tpu.yield
      }) : () -> ()
      "tpu.region"() ({
        %run_scoped3A_153 = tpu.sem_alloc : memref<!tpu.dma_semaphore, #tpu.memory_space<semaphore_mem>>
        %dma_start3A_154 = arith.constant 0 : i32
        %dma_start3A_155 = tpu.memref_slice %arg4[%add3A_34, %dma_start3A_154] : memref<2560x128xi32, #tpu.memory_space<hbm>> -> memref<8x128xi32, #tpu.memory_space<hbm>>
        %dma_start3A_156 = arith.constant 0 : i32
        %dma_start3A_157 = tpu.memref_slice %arg4[%add3A_34, %dma_start3A_156] : memref<2560x128xi32, #tpu.memory_space<hbm>> -> memref<8x128xi32, #tpu.memory_space<hbm>>
        tpu.enqueue_dma source(%dma_start3A_157 : memref<8x128xi32, #tpu.memory_space<hbm>>) target(%arg7 : memref<8x128xi32, #tpu.memory_space<vmem>>) target_semaphore(%run_scoped3A_153 : memref<!tpu.dma_semaphore, #tpu.memory_space<semaphore_mem>>)
        %dma_wait3A_158 = arith.constant 0 : i32
        %dma_wait3A_159 = tpu.memref_slice %arg4[%add3A_34, %dma_wait3A_158] : memref<2560x128xi32, #tpu.memory_space<hbm>> -> memref<8x128xi32, #tpu.memory_space<hbm>>
        %dma_wait3A_160 = arith.constant 0 : i32
        %dma_wait3A_161 = tpu.memref_slice %arg4[%add3A_34, %dma_wait3A_160] : memref<2560x128xi32, #tpu.memory_space<hbm>> -> memref<8x128xi32, #tpu.memory_space<hbm>>
        tpu.wait_dma2 semaphore(%run_scoped3A_153 : memref<!tpu.dma_semaphore, #tpu.memory_space<semaphore_mem>>) src(%dma_wait3A_161 : memref<8x128xi32, #tpu.memory_space<hbm>>) dst(%arg7 : memref<8x128xi32, #tpu.memory_space<vmem>>)
        tpu.yield
      }) : () -> ()
      %dma_start3A = arith.constant 0 : i32
      %dma_start3A_35 = arith.constant 0 : i32
      %dma_start3A_36 = tpu.memref_slice %arg6[%dma_start3A, %dma_start3A_35] : memref<8x128xi32, #tpu.memory_space<vmem>> -> memref<1x128xi32, #tpu.memory_space<vmem>>
      %dma_start3A_37 = tpu.memref_squeeze %dma_start3A_36 : memref<1x128xi32, #tpu.memory_space<vmem>> -> memref<128xi32, #tpu.memory_space<vmem>>
      %dma_start3A_38 = arith.constant 0 : i32
      %dma_start3A_39 = arith.constant 0 : i32
      %dma_start3A_40 = tpu.memref_slice %arg2[%dma_start3A_38, %dma_start3A_39] : memref<10240x128xf32, #tpu.memory_space<hbm>> -> memref<10240x128xf32, #tpu.memory_space<hbm>>
      tpu.enqueue_indirect_dma source(%dma_start3A_40 : memref<10240x128xf32, #tpu.memory_space<hbm>>) target(%arg8 : memref<128x128xf32, #tpu.memory_space<vmem>>) offsets(%dma_start3A_37 : memref<128xi32, #tpu.memory_space<vmem>>) semaphore(%arg12 : memref<!tpu.dma_semaphore, #tpu.memory_space<semaphore_mem>>)
      %dma_start3A_41 = arith.constant 1 : i32
      %dma_start3A_42 = arith.constant 0 : i32
      %dma_start3A_43 = tpu.memref_slice %arg6[%dma_start3A_41, %dma_start3A_42] : memref<8x128xi32, #tpu.memory_space<vmem>> -> memref<1x128xi32, #tpu.memory_space<vmem>>
      %dma_start3A_44 = tpu.memref_squeeze %dma_start3A_43 : memref<1x128xi32, #tpu.memory_space<vmem>> -> memref<128xi32, #tpu.memory_space<vmem>>
      %dma_start3A_45 = arith.constant 0 : i32
      %dma_start3A_46 = arith.constant 0 : i32
      %dma_start3A_47 = tpu.memref_slice %arg2[%dma_start3A_45, %dma_start3A_46] : memref<10240x128xf32, #tpu.memory_space<hbm>> -> memref<10240x128xf32, #tpu.memory_space<hbm>>
      tpu.enqueue_indirect_dma source(%dma_start3A_47 : memref<10240x128xf32, #tpu.memory_space<hbm>>) target(%arg9 : memref<128x128xf32, #tpu.memory_space<vmem>>) offsets(%dma_start3A_44 : memref<128xi32, #tpu.memory_space<vmem>>) semaphore(%arg13 : memref<!tpu.dma_semaphore, #tpu.memory_space<semaphore_mem>>)
      %dma_wait3A = arith.constant 0 : i32
      %dma_wait3A_48 = arith.constant 0 : i32
      %dma_wait3A_49 = tpu.memref_slice %arg6[%dma_wait3A, %dma_wait3A_48] : memref<8x128xi32, #tpu.memory_space<vmem>> -> memref<1x128xi32, #tpu.memory_space<vmem>>
      %dma_wait3A_50 = tpu.memref_squeeze %dma_wait3A_49 : memref<1x128xi32, #tpu.memory_space<vmem>> -> memref<128xi32, #tpu.memory_space<vmem>>
      %dma_wait3A_51 = arith.constant 0 : i32
      %dma_wait3A_52 = arith.constant 0 : i32
      %dma_wait3A_53 = tpu.memref_slice %arg2[%dma_wait3A_51, %dma_wait3A_52] : memref<10240x128xf32, #tpu.memory_space<hbm>> -> memref<10240x128xf32, #tpu.memory_space<hbm>>
      tpu.wait_indirect_dma semaphore(%arg12 : memref<!tpu.dma_semaphore, #tpu.memory_space<semaphore_mem>>) src(%dma_wait3A_53 : memref<10240x128xf32, #tpu.memory_space<hbm>>) dst(%arg8 : memref<128x128xf32, #tpu.memory_space<vmem>>)
      %run_scoped3A = arith.constant 0 : i32
      "tpu.region"() ({
        %run_scoped3A_153 = tpu.sem_alloc : memref<!tpu.dma_semaphore, #tpu.memory_space<semaphore_mem>>
        %dma_start3A_154 = arith.constant 0 : i32
        %dma_start3A_155 = tpu.memref_slice %arg7[%run_scoped3A, %dma_start3A_154] : memref<8x128xi32, #tpu.memory_space<vmem>> -> memref<1x128xi32, #tpu.memory_space<vmem>>
        %dma_start3A_156 = tpu.memref_squeeze %dma_start3A_155 : memref<1x128xi32, #tpu.memory_space<vmem>> -> memref<128xi32, #tpu.memory_space<vmem>>
        %dma_start3A_157 = arith.constant 0 : i32
        %dma_start3A_158 = arith.constant 0 : i32
        %dma_start3A_159 = tpu.memref_slice %arg11[%dma_start3A_157, %dma_start3A_158] : memref<10240x128xf32, #tpu.memory_space<vmem_shared>> -> memref<10240x128xf32, #tpu.memory_space<vmem_shared>>
        tpu.enqueue_indirect_dma source(%arg8 : memref<128x128xf32, #tpu.memory_space<vmem>>) target(%dma_start3A_159 : memref<10240x128xf32, #tpu.memory_space<vmem_shared>>) offsets(%dma_start3A_156 : memref<128xi32, #tpu.memory_space<vmem>>) semaphore(%run_scoped3A_153 : memref<!tpu.dma_semaphore, #tpu.memory_space<semaphore_mem>>) {add = true}
        %dma_wait3A_160 = arith.constant 0 : i32
        %dma_wait3A_161 = tpu.memref_slice %arg7[%run_scoped3A, %dma_wait3A_160] : memref<8x128xi32, #tpu.memory_space<vmem>> -> memref<1x128xi32, #tpu.memory_space<vmem>>
        %dma_wait3A_162 = tpu.memref_squeeze %dma_wait3A_161 : memref<1x128xi32, #tpu.memory_space<vmem>> -> memref<128xi32, #tpu.memory_space<vmem>>
        %dma_wait3A_163 = arith.constant 0 : i32
        %dma_wait3A_164 = arith.constant 0 : i32
        %dma_wait3A_165 = tpu.memref_slice %arg11[%dma_wait3A_163, %dma_wait3A_164] : memref<10240x128xf32, #tpu.memory_space<vmem_shared>> -> memref<10240x128xf32, #tpu.memory_space<vmem_shared>>
        tpu.wait_indirect_dma semaphore(%run_scoped3A_153 : memref<!tpu.dma_semaphore, #tpu.memory_space<semaphore_mem>>) src(%arg8 : memref<128x128xf32, #tpu.memory_space<vmem>>) dst(%dma_wait3A_165 : memref<10240x128xf32, #tpu.memory_space<vmem_shared>>)
        tpu.yield
      }) : () -> ()
      %dma_start3A_54 = arith.constant 2 : i32
      %dma_start3A_55 = arith.constant 0 : i32
      %dma_start3A_56 = tpu.memref_slice %arg6[%dma_start3A_54, %dma_start3A_55] : memref<8x128xi32, #tpu.memory_space<vmem>> -> memref<1x128xi32, #tpu.memory_space<vmem>>
      %dma_start3A_57 = tpu.memref_squeeze %dma_start3A_56 : memref<1x128xi32, #tpu.memory_space<vmem>> -> memref<128xi32, #tpu.memory_space<vmem>>
      %dma_start3A_58 = arith.constant 0 : i32
      %dma_start3A_59 = arith.constant 0 : i32
      %dma_start3A_60 = tpu.memref_slice %arg2[%dma_start3A_58, %dma_start3A_59] : memref<10240x128xf32, #tpu.memory_space<hbm>> -> memref<10240x128xf32, #tpu.memory_space<hbm>>
      tpu.enqueue_indirect_dma source(%dma_start3A_60 : memref<10240x128xf32, #tpu.memory_space<hbm>>) target(%arg8 : memref<128x128xf32, #tpu.memory_space<vmem>>) offsets(%dma_start3A_57 : memref<128xi32, #tpu.memory_space<vmem>>) semaphore(%arg12 : memref<!tpu.dma_semaphore, #tpu.memory_space<semaphore_mem>>)
      %dma_wait3A_61 = arith.constant 1 : i32
      %dma_wait3A_62 = arith.constant 0 : i32
      %dma_wait3A_63 = tpu.memref_slice %arg6[%dma_wait3A_61, %dma_wait3A_62] : memref<8x128xi32, #tpu.memory_space<vmem>> -> memref<1x128xi32, #tpu.memory_space<vmem>>
      %dma_wait3A_64 = tpu.memref_squeeze %dma_wait3A_63 : memref<1x128xi32, #tpu.memory_space<vmem>> -> memref<128xi32, #tpu.memory_space<vmem>>
      %dma_wait3A_65 = arith.constant 0 : i32
      %dma_wait3A_66 = arith.constant 0 : i32
      %dma_wait3A_67 = tpu.memref_slice %arg2[%dma_wait3A_65, %dma_wait3A_66] : memref<10240x128xf32, #tpu.memory_space<hbm>> -> memref<10240x128xf32, #tpu.memory_space<hbm>>
      tpu.wait_indirect_dma semaphore(%arg13 : memref<!tpu.dma_semaphore, #tpu.memory_space<semaphore_mem>>) src(%dma_wait3A_67 : memref<10240x128xf32, #tpu.memory_space<hbm>>) dst(%arg9 : memref<128x128xf32, #tpu.memory_space<vmem>>)
      %run_scoped3A_68 = arith.constant 1 : i32
      "tpu.region"() ({
        %run_scoped3A_153 = tpu.sem_alloc : memref<!tpu.dma_semaphore, #tpu.memory_space<semaphore_mem>>
        %dma_start3A_154 = arith.constant 0 : i32
        %dma_start3A_155 = tpu.memref_slice %arg7[%run_scoped3A_68, %dma_start3A_154] : memref<8x128xi32, #tpu.memory_space<vmem>> -> memref<1x128xi32, #tpu.memory_space<vmem>>
        %dma_start3A_156 = tpu.memref_squeeze %dma_start3A_155 : memref<1x128xi32, #tpu.memory_space<vmem>> -> memref<128xi32, #tpu.memory_space<vmem>>
        %dma_start3A_157 = arith.constant 0 : i32
        %dma_start3A_158 = arith.constant 0 : i32
        %dma_start3A_159 = tpu.memref_slice %arg11[%dma_start3A_157, %dma_start3A_158] : memref<10240x128xf32, #tpu.memory_space<vmem_shared>> -> memref<10240x128xf32, #tpu.memory_space<vmem_shared>>
        tpu.enqueue_indirect_dma source(%arg9 : memref<128x128xf32, #tpu.memory_space<vmem>>) target(%dma_start3A_159 : memref<10240x128xf32, #tpu.memory_space<vmem_shared>>) offsets(%dma_start3A_156 : memref<128xi32, #tpu.memory_space<vmem>>) semaphore(%run_scoped3A_153 : memref<!tpu.dma_semaphore, #tpu.memory_space<semaphore_mem>>) {add = true}
        %dma_wait3A_160 = arith.constant 0 : i32
        %dma_wait3A_161 = tpu.memref_slice %arg7[%run_scoped3A_68, %dma_wait3A_160] : memref<8x128xi32, #tpu.memory_space<vmem>> -> memref<1x128xi32, #tpu.memory_space<vmem>>
        %dma_wait3A_162 = tpu.memref_squeeze %dma_wait3A_161 : memref<1x128xi32, #tpu.memory_space<vmem>> -> memref<128xi32, #tpu.memory_space<vmem>>
        %dma_wait3A_163 = arith.constant 0 : i32
        %dma_wait3A_164 = arith.constant 0 : i32
        %dma_wait3A_165 = tpu.memref_slice %arg11[%dma_wait3A_163, %dma_wait3A_164] : memref<10240x128xf32, #tpu.memory_space<vmem_shared>> -> memref<10240x128xf32, #tpu.memory_space<vmem_shared>>
        tpu.wait_indirect_dma semaphore(%run_scoped3A_153 : memref<!tpu.dma_semaphore, #tpu.memory_space<semaphore_mem>>) src(%arg9 : memref<128x128xf32, #tpu.memory_space<vmem>>) dst(%dma_wait3A_165 : memref<10240x128xf32, #tpu.memory_space<vmem_shared>>)
        tpu.yield
      }) : () -> ()
      %dma_start3A_69 = arith.constant 3 : i32
      %dma_start3A_70 = arith.constant 0 : i32
      %dma_start3A_71 = tpu.memref_slice %arg6[%dma_start3A_69, %dma_start3A_70] : memref<8x128xi32, #tpu.memory_space<vmem>> -> memref<1x128xi32, #tpu.memory_space<vmem>>
      %dma_start3A_72 = tpu.memref_squeeze %dma_start3A_71 : memref<1x128xi32, #tpu.memory_space<vmem>> -> memref<128xi32, #tpu.memory_space<vmem>>
      %dma_start3A_73 = arith.constant 0 : i32
      %dma_start3A_74 = arith.constant 0 : i32
      %dma_start3A_75 = tpu.memref_slice %arg2[%dma_start3A_73, %dma_start3A_74] : memref<10240x128xf32, #tpu.memory_space<hbm>> -> memref<10240x128xf32, #tpu.memory_space<hbm>>
      tpu.enqueue_indirect_dma source(%dma_start3A_75 : memref<10240x128xf32, #tpu.memory_space<hbm>>) target(%arg9 : memref<128x128xf32, #tpu.memory_space<vmem>>) offsets(%dma_start3A_72 : memref<128xi32, #tpu.memory_space<vmem>>) semaphore(%arg13 : memref<!tpu.dma_semaphore, #tpu.memory_space<semaphore_mem>>)
      %dma_wait3A_76 = arith.constant 2 : i32
      %dma_wait3A_77 = arith.constant 0 : i32
      %dma_wait3A_78 = tpu.memref_slice %arg6[%dma_wait3A_76, %dma_wait3A_77] : memref<8x128xi32, #tpu.memory_space<vmem>> -> memref<1x128xi32, #tpu.memory_space<vmem>>
      %dma_wait3A_79 = tpu.memref_squeeze %dma_wait3A_78 : memref<1x128xi32, #tpu.memory_space<vmem>> -> memref<128xi32, #tpu.memory_space<vmem>>
      %dma_wait3A_80 = arith.constant 0 : i32
      %dma_wait3A_81 = arith.constant 0 : i32
      %dma_wait3A_82 = tpu.memref_slice %arg2[%dma_wait3A_80, %dma_wait3A_81] : memref<10240x128xf32, #tpu.memory_space<hbm>> -> memref<10240x128xf32, #tpu.memory_space<hbm>>
      tpu.wait_indirect_dma semaphore(%arg12 : memref<!tpu.dma_semaphore, #tpu.memory_space<semaphore_mem>>) src(%dma_wait3A_82 : memref<10240x128xf32, #tpu.memory_space<hbm>>) dst(%arg8 : memref<128x128xf32, #tpu.memory_space<vmem>>)
      %run_scoped3A_83 = arith.constant 2 : i32
      "tpu.region"() ({
        %run_scoped3A_153 = tpu.sem_alloc : memref<!tpu.dma_semaphore, #tpu.memory_space<semaphore_mem>>
        %dma_start3A_154 = arith.constant 0 : i32
        %dma_start3A_155 = tpu.memref_slice %arg7[%run_scoped3A_83, %dma_start3A_154] : memref<8x128xi32, #tpu.memory_space<vmem>> -> memref<1x128xi32, #tpu.memory_space<vmem>>
        %dma_start3A_156 = tpu.memref_squeeze %dma_start3A_155 : memref<1x128xi32, #tpu.memory_space<vmem>> -> memref<128xi32, #tpu.memory_space<vmem>>
        %dma_start3A_157 = arith.constant 0 : i32
        %dma_start3A_158 = arith.constant 0 : i32
        %dma_start3A_159 = tpu.memref_slice %arg11[%dma_start3A_157, %dma_start3A_158] : memref<10240x128xf32, #tpu.memory_space<vmem_shared>> -> memref<10240x128xf32, #tpu.memory_space<vmem_shared>>
        tpu.enqueue_indirect_dma source(%arg8 : memref<128x128xf32, #tpu.memory_space<vmem>>) target(%dma_start3A_159 : memref<10240x128xf32, #tpu.memory_space<vmem_shared>>) offsets(%dma_start3A_156 : memref<128xi32, #tpu.memory_space<vmem>>) semaphore(%run_scoped3A_153 : memref<!tpu.dma_semaphore, #tpu.memory_space<semaphore_mem>>) {add = true}
        %dma_wait3A_160 = arith.constant 0 : i32
        %dma_wait3A_161 = tpu.memref_slice %arg7[%run_scoped3A_83, %dma_wait3A_160] : memref<8x128xi32, #tpu.memory_space<vmem>> -> memref<1x128xi32, #tpu.memory_space<vmem>>
        %dma_wait3A_162 = tpu.memref_squeeze %dma_wait3A_161 : memref<1x128xi32, #tpu.memory_space<vmem>> -> memref<128xi32, #tpu.memory_space<vmem>>
        %dma_wait3A_163 = arith.constant 0 : i32
        %dma_wait3A_164 = arith.constant 0 : i32
        %dma_wait3A_165 = tpu.memref_slice %arg11[%dma_wait3A_163, %dma_wait3A_164] : memref<10240x128xf32, #tpu.memory_space<vmem_shared>> -> memref<10240x128xf32, #tpu.memory_space<vmem_shared>>
        tpu.wait_indirect_dma semaphore(%run_scoped3A_153 : memref<!tpu.dma_semaphore, #tpu.memory_space<semaphore_mem>>) src(%arg8 : memref<128x128xf32, #tpu.memory_space<vmem>>) dst(%dma_wait3A_165 : memref<10240x128xf32, #tpu.memory_space<vmem_shared>>)
        tpu.yield
      }) : () -> ()
      %dma_start3A_84 = arith.constant 4 : i32
      %dma_start3A_85 = arith.constant 0 : i32
      %dma_start3A_86 = tpu.memref_slice %arg6[%dma_start3A_84, %dma_start3A_85] : memref<8x128xi32, #tpu.memory_space<vmem>> -> memref<1x128xi32, #tpu.memory_space<vmem>>
      %dma_start3A_87 = tpu.memref_squeeze %dma_start3A_86 : memref<1x128xi32, #tpu.memory_space<vmem>> -> memref<128xi32, #tpu.memory_space<vmem>>
      %dma_start3A_88 = arith.constant 0 : i32
      %dma_start3A_89 = arith.constant 0 : i32
      %dma_start3A_90 = tpu.memref_slice %arg2[%dma_start3A_88, %dma_start3A_89] : memref<10240x128xf32, #tpu.memory_space<hbm>> -> memref<10240x128xf32, #tpu.memory_space<hbm>>
      tpu.enqueue_indirect_dma source(%dma_start3A_90 : memref<10240x128xf32, #tpu.memory_space<hbm>>) target(%arg8 : memref<128x128xf32, #tpu.memory_space<vmem>>) offsets(%dma_start3A_87 : memref<128xi32, #tpu.memory_space<vmem>>) semaphore(%arg12 : memref<!tpu.dma_semaphore, #tpu.memory_space<semaphore_mem>>)
      %dma_wait3A_91 = arith.constant 3 : i32
      %dma_wait3A_92 = arith.constant 0 : i32
      %dma_wait3A_93 = tpu.memref_slice %arg6[%dma_wait3A_91, %dma_wait3A_92] : memref<8x128xi32, #tpu.memory_space<vmem>> -> memref<1x128xi32, #tpu.memory_space<vmem>>
      %dma_wait3A_94 = tpu.memref_squeeze %dma_wait3A_93 : memref<1x128xi32, #tpu.memory_space<vmem>> -> memref<128xi32, #tpu.memory_space<vmem>>
      %dma_wait3A_95 = arith.constant 0 : i32
      %dma_wait3A_96 = arith.constant 0 : i32
      %dma_wait3A_97 = tpu.memref_slice %arg2[%dma_wait3A_95, %dma_wait3A_96] : memref<10240x128xf32, #tpu.memory_space<hbm>> -> memref<10240x128xf32, #tpu.memory_space<hbm>>
      tpu.wait_indirect_dma semaphore(%arg13 : memref<!tpu.dma_semaphore, #tpu.memory_space<semaphore_mem>>) src(%dma_wait3A_97 : memref<10240x128xf32, #tpu.memory_space<hbm>>) dst(%arg9 : memref<128x128xf32, #tpu.memory_space<vmem>>)
      %run_scoped3A_98 = arith.constant 3 : i32
      "tpu.region"() ({
        %run_scoped3A_153 = tpu.sem_alloc : memref<!tpu.dma_semaphore, #tpu.memory_space<semaphore_mem>>
        %dma_start3A_154 = arith.constant 0 : i32
        %dma_start3A_155 = tpu.memref_slice %arg7[%run_scoped3A_98, %dma_start3A_154] : memref<8x128xi32, #tpu.memory_space<vmem>> -> memref<1x128xi32, #tpu.memory_space<vmem>>
        %dma_start3A_156 = tpu.memref_squeeze %dma_start3A_155 : memref<1x128xi32, #tpu.memory_space<vmem>> -> memref<128xi32, #tpu.memory_space<vmem>>
        %dma_start3A_157 = arith.constant 0 : i32
        %dma_start3A_158 = arith.constant 0 : i32
        %dma_start3A_159 = tpu.memref_slice %arg11[%dma_start3A_157, %dma_start3A_158] : memref<10240x128xf32, #tpu.memory_space<vmem_shared>> -> memref<10240x128xf32, #tpu.memory_space<vmem_shared>>
        tpu.enqueue_indirect_dma source(%arg9 : memref<128x128xf32, #tpu.memory_space<vmem>>) target(%dma_start3A_159 : memref<10240x128xf32, #tpu.memory_space<vmem_shared>>) offsets(%dma_start3A_156 : memref<128xi32, #tpu.memory_space<vmem>>) semaphore(%run_scoped3A_153 : memref<!tpu.dma_semaphore, #tpu.memory_space<semaphore_mem>>) {add = true}
        %dma_wait3A_160 = arith.constant 0 : i32
        %dma_wait3A_161 = tpu.memref_slice %arg7[%run_scoped3A_98, %dma_wait3A_160] : memref<8x128xi32, #tpu.memory_space<vmem>> -> memref<1x128xi32, #tpu.memory_space<vmem>>
        %dma_wait3A_162 = tpu.memref_squeeze %dma_wait3A_161 : memref<1x128xi32, #tpu.memory_space<vmem>> -> memref<128xi32, #tpu.memory_space<vmem>>
        %dma_wait3A_163 = arith.constant 0 : i32
        %dma_wait3A_164 = arith.constant 0 : i32
        %dma_wait3A_165 = tpu.memref_slice %arg11[%dma_wait3A_163, %dma_wait3A_164] : memref<10240x128xf32, #tpu.memory_space<vmem_shared>> -> memref<10240x128xf32, #tpu.memory_space<vmem_shared>>
        tpu.wait_indirect_dma semaphore(%run_scoped3A_153 : memref<!tpu.dma_semaphore, #tpu.memory_space<semaphore_mem>>) src(%arg9 : memref<128x128xf32, #tpu.memory_space<vmem>>) dst(%dma_wait3A_165 : memref<10240x128xf32, #tpu.memory_space<vmem_shared>>)
        tpu.yield
      }) : () -> ()
      %dma_start3A_99 = arith.constant 5 : i32
      %dma_start3A_100 = arith.constant 0 : i32
      %dma_start3A_101 = tpu.memref_slice %arg6[%dma_start3A_99, %dma_start3A_100] : memref<8x128xi32, #tpu.memory_space<vmem>> -> memref<1x128xi32, #tpu.memory_space<vmem>>
      %dma_start3A_102 = tpu.memref_squeeze %dma_start3A_101 : memref<1x128xi32, #tpu.memory_space<vmem>> -> memref<128xi32, #tpu.memory_space<vmem>>
      %dma_start3A_103 = arith.constant 0 : i32
      %dma_start3A_104 = arith.constant 0 : i32
      %dma_start3A_105 = tpu.memref_slice %arg2[%dma_start3A_103, %dma_start3A_104] : memref<10240x128xf32, #tpu.memory_space<hbm>> -> memref<10240x128xf32, #tpu.memory_space<hbm>>
      tpu.enqueue_indirect_dma source(%dma_start3A_105 : memref<10240x128xf32, #tpu.memory_space<hbm>>) target(%arg9 : memref<128x128xf32, #tpu.memory_space<vmem>>) offsets(%dma_start3A_102 : memref<128xi32, #tpu.memory_space<vmem>>) semaphore(%arg13 : memref<!tpu.dma_semaphore, #tpu.memory_space<semaphore_mem>>)
      %dma_wait3A_106 = arith.constant 4 : i32
      %dma_wait3A_107 = arith.constant 0 : i32
      %dma_wait3A_108 = tpu.memref_slice %arg6[%dma_wait3A_106, %dma_wait3A_107] : memref<8x128xi32, #tpu.memory_space<vmem>> -> memref<1x128xi32, #tpu.memory_space<vmem>>
      %dma_wait3A_109 = tpu.memref_squeeze %dma_wait3A_108 : memref<1x128xi32, #tpu.memory_space<vmem>> -> memref<128xi32, #tpu.memory_space<vmem>>
      %dma_wait3A_110 = arith.constant 0 : i32
      %dma_wait3A_111 = arith.constant 0 : i32
      %dma_wait3A_112 = tpu.memref_slice %arg2[%dma_wait3A_110, %dma_wait3A_111] : memref<10240x128xf32, #tpu.memory_space<hbm>> -> memref<10240x128xf32, #tpu.memory_space<hbm>>
      tpu.wait_indirect_dma semaphore(%arg12 : memref<!tpu.dma_semaphore, #tpu.memory_space<semaphore_mem>>) src(%dma_wait3A_112 : memref<10240x128xf32, #tpu.memory_space<hbm>>) dst(%arg8 : memref<128x128xf32, #tpu.memory_space<vmem>>)
      %run_scoped3A_113 = arith.constant 4 : i32
      "tpu.region"() ({
        %run_scoped3A_153 = tpu.sem_alloc : memref<!tpu.dma_semaphore, #tpu.memory_space<semaphore_mem>>
        %dma_start3A_154 = arith.constant 0 : i32
        %dma_start3A_155 = tpu.memref_slice %arg7[%run_scoped3A_113, %dma_start3A_154] : memref<8x128xi32, #tpu.memory_space<vmem>> -> memref<1x128xi32, #tpu.memory_space<vmem>>
        %dma_start3A_156 = tpu.memref_squeeze %dma_start3A_155 : memref<1x128xi32, #tpu.memory_space<vmem>> -> memref<128xi32, #tpu.memory_space<vmem>>
        %dma_start3A_157 = arith.constant 0 : i32
        %dma_start3A_158 = arith.constant 0 : i32
        %dma_start3A_159 = tpu.memref_slice %arg11[%dma_start3A_157, %dma_start3A_158] : memref<10240x128xf32, #tpu.memory_space<vmem_shared>> -> memref<10240x128xf32, #tpu.memory_space<vmem_shared>>
        tpu.enqueue_indirect_dma source(%arg8 : memref<128x128xf32, #tpu.memory_space<vmem>>) target(%dma_start3A_159 : memref<10240x128xf32, #tpu.memory_space<vmem_shared>>) offsets(%dma_start3A_156 : memref<128xi32, #tpu.memory_space<vmem>>) semaphore(%run_scoped3A_153 : memref<!tpu.dma_semaphore, #tpu.memory_space<semaphore_mem>>) {add = true}
        %dma_wait3A_160 = arith.constant 0 : i32
        %dma_wait3A_161 = tpu.memref_slice %arg7[%run_scoped3A_113, %dma_wait3A_160] : memref<8x128xi32, #tpu.memory_space<vmem>> -> memref<1x128xi32, #tpu.memory_space<vmem>>
        %dma_wait3A_162 = tpu.memref_squeeze %dma_wait3A_161 : memref<1x128xi32, #tpu.memory_space<vmem>> -> memref<128xi32, #tpu.memory_space<vmem>>
        %dma_wait3A_163 = arith.constant 0 : i32
        %dma_wait3A_164 = arith.constant 0 : i32
        %dma_wait3A_165 = tpu.memref_slice %arg11[%dma_wait3A_163, %dma_wait3A_164] : memref<10240x128xf32, #tpu.memory_space<vmem_shared>> -> memref<10240x128xf32, #tpu.memory_space<vmem_shared>>
        tpu.wait_indirect_dma semaphore(%run_scoped3A_153 : memref<!tpu.dma_semaphore, #tpu.memory_space<semaphore_mem>>) src(%arg8 : memref<128x128xf32, #tpu.memory_space<vmem>>) dst(%dma_wait3A_165 : memref<10240x128xf32, #tpu.memory_space<vmem_shared>>)
        tpu.yield
      }) : () -> ()
      %dma_start3A_114 = arith.constant 6 : i32
      %dma_start3A_115 = arith.constant 0 : i32
      %dma_start3A_116 = tpu.memref_slice %arg6[%dma_start3A_114, %dma_start3A_115] : memref<8x128xi32, #tpu.memory_space<vmem>> -> memref<1x128xi32, #tpu.memory_space<vmem>>
      %dma_start3A_117 = tpu.memref_squeeze %dma_start3A_116 : memref<1x128xi32, #tpu.memory_space<vmem>> -> memref<128xi32, #tpu.memory_space<vmem>>
      %dma_start3A_118 = arith.constant 0 : i32
      %dma_start3A_119 = arith.constant 0 : i32
      %dma_start3A_120 = tpu.memref_slice %arg2[%dma_start3A_118, %dma_start3A_119] : memref<10240x128xf32, #tpu.memory_space<hbm>> -> memref<10240x128xf32, #tpu.memory_space<hbm>>
      tpu.enqueue_indirect_dma source(%dma_start3A_120 : memref<10240x128xf32, #tpu.memory_space<hbm>>) target(%arg8 : memref<128x128xf32, #tpu.memory_space<vmem>>) offsets(%dma_start3A_117 : memref<128xi32, #tpu.memory_space<vmem>>) semaphore(%arg12 : memref<!tpu.dma_semaphore, #tpu.memory_space<semaphore_mem>>)
      %dma_wait3A_121 = arith.constant 5 : i32
      %dma_wait3A_122 = arith.constant 0 : i32
      %dma_wait3A_123 = tpu.memref_slice %arg6[%dma_wait3A_121, %dma_wait3A_122] : memref<8x128xi32, #tpu.memory_space<vmem>> -> memref<1x128xi32, #tpu.memory_space<vmem>>
      %dma_wait3A_124 = tpu.memref_squeeze %dma_wait3A_123 : memref<1x128xi32, #tpu.memory_space<vmem>> -> memref<128xi32, #tpu.memory_space<vmem>>
      %dma_wait3A_125 = arith.constant 0 : i32
      %dma_wait3A_126 = arith.constant 0 : i32
      %dma_wait3A_127 = tpu.memref_slice %arg2[%dma_wait3A_125, %dma_wait3A_126] : memref<10240x128xf32, #tpu.memory_space<hbm>> -> memref<10240x128xf32, #tpu.memory_space<hbm>>
      tpu.wait_indirect_dma semaphore(%arg13 : memref<!tpu.dma_semaphore, #tpu.memory_space<semaphore_mem>>) src(%dma_wait3A_127 : memref<10240x128xf32, #tpu.memory_space<hbm>>) dst(%arg9 : memref<128x128xf32, #tpu.memory_space<vmem>>)
      %run_scoped3A_128 = arith.constant 5 : i32
      "tpu.region"() ({
        %run_scoped3A_153 = tpu.sem_alloc : memref<!tpu.dma_semaphore, #tpu.memory_space<semaphore_mem>>
        %dma_start3A_154 = arith.constant 0 : i32
        %dma_start3A_155 = tpu.memref_slice %arg7[%run_scoped3A_128, %dma_start3A_154] : memref<8x128xi32, #tpu.memory_space<vmem>> -> memref<1x128xi32, #tpu.memory_space<vmem>>
        %dma_start3A_156 = tpu.memref_squeeze %dma_start3A_155 : memref<1x128xi32, #tpu.memory_space<vmem>> -> memref<128xi32, #tpu.memory_space<vmem>>
        %dma_start3A_157 = arith.constant 0 : i32
        %dma_start3A_158 = arith.constant 0 : i32
        %dma_start3A_159 = tpu.memref_slice %arg11[%dma_start3A_157, %dma_start3A_158] : memref<10240x128xf32, #tpu.memory_space<vmem_shared>> -> memref<10240x128xf32, #tpu.memory_space<vmem_shared>>
        tpu.enqueue_indirect_dma source(%arg9 : memref<128x128xf32, #tpu.memory_space<vmem>>) target(%dma_start3A_159 : memref<10240x128xf32, #tpu.memory_space<vmem_shared>>) offsets(%dma_start3A_156 : memref<128xi32, #tpu.memory_space<vmem>>) semaphore(%run_scoped3A_153 : memref<!tpu.dma_semaphore, #tpu.memory_space<semaphore_mem>>) {add = true}
        %dma_wait3A_160 = arith.constant 0 : i32
        %dma_wait3A_161 = tpu.memref_slice %arg7[%run_scoped3A_128, %dma_wait3A_160] : memref<8x128xi32, #tpu.memory_space<vmem>> -> memref<1x128xi32, #tpu.memory_space<vmem>>
        %dma_wait3A_162 = tpu.memref_squeeze %dma_wait3A_161 : memref<1x128xi32, #tpu.memory_space<vmem>> -> memref<128xi32, #tpu.memory_space<vmem>>
        %dma_wait3A_163 = arith.constant 0 : i32
        %dma_wait3A_164 = arith.constant 0 : i32
        %dma_wait3A_165 = tpu.memref_slice %arg11[%dma_wait3A_163, %dma_wait3A_164] : memref<10240x128xf32, #tpu.memory_space<vmem_shared>> -> memref<10240x128xf32, #tpu.memory_space<vmem_shared>>
        tpu.wait_indirect_dma semaphore(%run_scoped3A_153 : memref<!tpu.dma_semaphore, #tpu.memory_space<semaphore_mem>>) src(%arg9 : memref<128x128xf32, #tpu.memory_space<vmem>>) dst(%dma_wait3A_165 : memref<10240x128xf32, #tpu.memory_space<vmem_shared>>)
        tpu.yield
      }) : () -> ()
      %dma_start3A_129 = arith.constant 7 : i32
      %dma_start3A_130 = arith.constant 0 : i32
      %dma_start3A_131 = tpu.memref_slice %arg6[%dma_start3A_129, %dma_start3A_130] : memref<8x128xi32, #tpu.memory_space<vmem>> -> memref<1x128xi32, #tpu.memory_space<vmem>>
      %dma_start3A_132 = tpu.memref_squeeze %dma_start3A_131 : memref<1x128xi32, #tpu.memory_space<vmem>> -> memref<128xi32, #tpu.memory_space<vmem>>
      %dma_start3A_133 = arith.constant 0 : i32
      %dma_start3A_134 = arith.constant 0 : i32
      %dma_start3A_135 = tpu.memref_slice %arg2[%dma_start3A_133, %dma_start3A_134] : memref<10240x128xf32, #tpu.memory_space<hbm>> -> memref<10240x128xf32, #tpu.memory_space<hbm>>
      tpu.enqueue_indirect_dma source(%dma_start3A_135 : memref<10240x128xf32, #tpu.memory_space<hbm>>) target(%arg9 : memref<128x128xf32, #tpu.memory_space<vmem>>) offsets(%dma_start3A_132 : memref<128xi32, #tpu.memory_space<vmem>>) semaphore(%arg13 : memref<!tpu.dma_semaphore, #tpu.memory_space<semaphore_mem>>)
      %dma_wait3A_136 = arith.constant 6 : i32
      %dma_wait3A_137 = arith.constant 0 : i32
      %dma_wait3A_138 = tpu.memref_slice %arg6[%dma_wait3A_136, %dma_wait3A_137] : memref<8x128xi32, #tpu.memory_space<vmem>> -> memref<1x128xi32, #tpu.memory_space<vmem>>
      %dma_wait3A_139 = tpu.memref_squeeze %dma_wait3A_138 : memref<1x128xi32, #tpu.memory_space<vmem>> -> memref<128xi32, #tpu.memory_space<vmem>>
      %dma_wait3A_140 = arith.constant 0 : i32
      %dma_wait3A_141 = arith.constant 0 : i32
      %dma_wait3A_142 = tpu.memref_slice %arg2[%dma_wait3A_140, %dma_wait3A_141] : memref<10240x128xf32, #tpu.memory_space<hbm>> -> memref<10240x128xf32, #tpu.memory_space<hbm>>
      tpu.wait_indirect_dma semaphore(%arg12 : memref<!tpu.dma_semaphore, #tpu.memory_space<semaphore_mem>>) src(%dma_wait3A_142 : memref<10240x128xf32, #tpu.memory_space<hbm>>) dst(%arg8 : memref<128x128xf32, #tpu.memory_space<vmem>>)
      %run_scoped3A_143 = arith.constant 6 : i32
      "tpu.region"() ({
        %run_scoped3A_153 = tpu.sem_alloc : memref<!tpu.dma_semaphore, #tpu.memory_space<semaphore_mem>>
        %dma_start3A_154 = arith.constant 0 : i32
        %dma_start3A_155 = tpu.memref_slice %arg7[%run_scoped3A_143, %dma_start3A_154] : memref<8x128xi32, #tpu.memory_space<vmem>> -> memref<1x128xi32, #tpu.memory_space<vmem>>
        %dma_start3A_156 = tpu.memref_squeeze %dma_start3A_155 : memref<1x128xi32, #tpu.memory_space<vmem>> -> memref<128xi32, #tpu.memory_space<vmem>>
        %dma_start3A_157 = arith.constant 0 : i32
        %dma_start3A_158 = arith.constant 0 : i32
        %dma_start3A_159 = tpu.memref_slice %arg11[%dma_start3A_157, %dma_start3A_158] : memref<10240x128xf32, #tpu.memory_space<vmem_shared>> -> memref<10240x128xf32, #tpu.memory_space<vmem_shared>>
        tpu.enqueue_indirect_dma source(%arg8 : memref<128x128xf32, #tpu.memory_space<vmem>>) target(%dma_start3A_159 : memref<10240x128xf32, #tpu.memory_space<vmem_shared>>) offsets(%dma_start3A_156 : memref<128xi32, #tpu.memory_space<vmem>>) semaphore(%run_scoped3A_153 : memref<!tpu.dma_semaphore, #tpu.memory_space<semaphore_mem>>) {add = true}
        %dma_wait3A_160 = arith.constant 0 : i32
        %dma_wait3A_161 = tpu.memref_slice %arg7[%run_scoped3A_143, %dma_wait3A_160] : memref<8x128xi32, #tpu.memory_space<vmem>> -> memref<1x128xi32, #tpu.memory_space<vmem>>
        %dma_wait3A_162 = tpu.memref_squeeze %dma_wait3A_161 : memref<1x128xi32, #tpu.memory_space<vmem>> -> memref<128xi32, #tpu.memory_space<vmem>>
        %dma_wait3A_163 = arith.constant 0 : i32
        %dma_wait3A_164 = arith.constant 0 : i32
        %dma_wait3A_165 = tpu.memref_slice %arg11[%dma_wait3A_163, %dma_wait3A_164] : memref<10240x128xf32, #tpu.memory_space<vmem_shared>> -> memref<10240x128xf32, #tpu.memory_space<vmem_shared>>
        tpu.wait_indirect_dma semaphore(%run_scoped3A_153 : memref<!tpu.dma_semaphore, #tpu.memory_space<semaphore_mem>>) src(%arg8 : memref<128x128xf32, #tpu.memory_space<vmem>>) dst(%dma_wait3A_165 : memref<10240x128xf32, #tpu.memory_space<vmem_shared>>)
        tpu.yield
      }) : () -> ()
      %dma_wait3A_144 = arith.constant 7 : i32
      %dma_wait3A_145 = arith.constant 0 : i32
      %dma_wait3A_146 = tpu.memref_slice %arg6[%dma_wait3A_144, %dma_wait3A_145] : memref<8x128xi32, #tpu.memory_space<vmem>> -> memref<1x128xi32, #tpu.memory_space<vmem>>
      %dma_wait3A_147 = tpu.memref_squeeze %dma_wait3A_146 : memref<1x128xi32, #tpu.memory_space<vmem>> -> memref<128xi32, #tpu.memory_space<vmem>>
      %dma_wait3A_148 = arith.constant 0 : i32
      %dma_wait3A_149 = arith.constant 0 : i32
      %dma_wait3A_150 = tpu.memref_slice %arg2[%dma_wait3A_148, %dma_wait3A_149] : memref<10240x128xf32, #tpu.memory_space<hbm>> -> memref<10240x128xf32, #tpu.memory_space<hbm>>
      tpu.wait_indirect_dma semaphore(%arg13 : memref<!tpu.dma_semaphore, #tpu.memory_space<semaphore_mem>>) src(%dma_wait3A_150 : memref<10240x128xf32, #tpu.memory_space<hbm>>) dst(%arg9 : memref<128x128xf32, #tpu.memory_space<vmem>>)
      %run_scoped3A_151 = arith.constant 7 : i32
      "tpu.region"() ({
        %run_scoped3A_153 = tpu.sem_alloc : memref<!tpu.dma_semaphore, #tpu.memory_space<semaphore_mem>>
        %dma_start3A_154 = arith.constant 0 : i32
        %dma_start3A_155 = tpu.memref_slice %arg7[%run_scoped3A_151, %dma_start3A_154] : memref<8x128xi32, #tpu.memory_space<vmem>> -> memref<1x128xi32, #tpu.memory_space<vmem>>
        %dma_start3A_156 = tpu.memref_squeeze %dma_start3A_155 : memref<1x128xi32, #tpu.memory_space<vmem>> -> memref<128xi32, #tpu.memory_space<vmem>>
        %dma_start3A_157 = arith.constant 0 : i32
        %dma_start3A_158 = arith.constant 0 : i32
        %dma_start3A_159 = tpu.memref_slice %arg11[%dma_start3A_157, %dma_start3A_158] : memref<10240x128xf32, #tpu.memory_space<vmem_shared>> -> memref<10240x128xf32, #tpu.memory_space<vmem_shared>>
        tpu.enqueue_indirect_dma source(%arg9 : memref<128x128xf32, #tpu.memory_space<vmem>>) target(%dma_start3A_159 : memref<10240x128xf32, #tpu.memory_space<vmem_shared>>) offsets(%dma_start3A_156 : memref<128xi32, #tpu.memory_space<vmem>>) semaphore(%run_scoped3A_153 : memref<!tpu.dma_semaphore, #tpu.memory_space<semaphore_mem>>) {add = true}
        %dma_wait3A_160 = arith.constant 0 : i32
        %dma_wait3A_161 = tpu.memref_slice %arg7[%run_scoped3A_151, %dma_wait3A_160] : memref<8x128xi32, #tpu.memory_space<vmem>> -> memref<1x128xi32, #tpu.memory_space<vmem>>
        %dma_wait3A_162 = tpu.memref_squeeze %dma_wait3A_161 : memref<1x128xi32, #tpu.memory_space<vmem>> -> memref<128xi32, #tpu.memory_space<vmem>>
        %dma_wait3A_163 = arith.constant 0 : i32
        %dma_wait3A_164 = arith.constant 0 : i32
        %dma_wait3A_165 = tpu.memref_slice %arg11[%dma_wait3A_163, %dma_wait3A_164] : memref<10240x128xf32, #tpu.memory_space<vmem_shared>> -> memref<10240x128xf32, #tpu.memory_space<vmem_shared>>
        tpu.wait_indirect_dma semaphore(%run_scoped3A_153 : memref<!tpu.dma_semaphore, #tpu.memory_space<semaphore_mem>>) src(%arg9 : memref<128x128xf32, #tpu.memory_space<vmem>>) dst(%dma_wait3A_165 : memref<10240x128xf32, #tpu.memory_space<vmem_shared>>)
        tpu.yield
      }) : () -> ()
      %scan3A_152 = arith.constant 0 : i32
      scf.yield %scan3A_152 : i32
    }
    %scan3A_25 = arith.constant 10 : i32
    %barrier3A_26 = arith.constant 0 : index
    tpu.barrier barrier_id(%barrier3A_26)
    %mul3A_27 = arith.constant 10240 : i32
    %mul3A_28 = arith.muli %arg0, %mul3A_27 : i32
    %add3A_29 = arith.addi %mul3A_28, %mul3A_9 : i32
    "tpu.region"() ({
      %run_scoped3A = tpu.sem_alloc : memref<!tpu.dma_semaphore, #tpu.memory_space<semaphore_mem>>
      %dma_start3A = arith.constant 0 : i32
      %dma_start3A_30 = tpu.memref_slice %arg5[%add3A_29, %dma_start3A] : memref<20480x128xf32, #tpu.memory_space<hbm>> -> memref<640x128xf32, #tpu.memory_space<hbm>>
      %dma_start3A_31 = arith.constant 0 : i32
      %dma_start3A_32 = tpu.memref_slice %arg11[%mul3A_9, %dma_start3A_31] : memref<10240x128xf32, #tpu.memory_space<vmem_shared>> -> memref<640x128xf32, #tpu.memory_space<vmem_shared>>
      tpu.enqueue_dma source(%dma_start3A_32 : memref<640x128xf32, #tpu.memory_space<vmem_shared>>) target(%dma_start3A_30 : memref<640x128xf32, #tpu.memory_space<hbm>>) target_semaphore(%run_scoped3A : memref<!tpu.dma_semaphore, #tpu.memory_space<semaphore_mem>>)
      %dma_wait3A = arith.constant 0 : i32
      %dma_wait3A_33 = tpu.memref_slice %arg5[%add3A_29, %dma_wait3A] : memref<20480x128xf32, #tpu.memory_space<hbm>> -> memref<640x128xf32, #tpu.memory_space<hbm>>
      %dma_wait3A_34 = arith.constant 0 : i32
      %dma_wait3A_35 = tpu.memref_slice %arg11[%mul3A_9, %dma_wait3A_34] : memref<10240x128xf32, #tpu.memory_space<vmem_shared>> -> memref<640x128xf32, #tpu.memory_space<vmem_shared>>
      tpu.wait_dma2 semaphore(%run_scoped3A : memref<!tpu.dma_semaphore, #tpu.memory_space<semaphore_mem>>) src(%dma_wait3A_35 : memref<640x128xf32, #tpu.memory_space<vmem_shared>>) dst(%dma_wait3A_33 : memref<640x128xf32, #tpu.memory_space<hbm>>)
      tpu.yield
    }) : () -> ()
    return
  }
}

module attributes {stable_mosaic.version = 14 : i64} {
  func.func @_tc_a_body(%arg0: i32, %arg1: memref<640x128xf32, #tpu.memory_space<vmem>>, %arg2: memref<128x128xf32, #tpu.memory_space<vmem>>, %arg3: memref<640x16xf32, #tpu.memory_space<vmem>>, %arg4: memref<640x16xf32, #tpu.memory_space<vmem>>, %arg5: memref<640x128xf32, #tpu.memory_space<vmem>>, %arg6: memref<640x128xf32, #tpu.memory_space<vmem>>) attributes {dimension_semantics = [#tpu.dimension_semantics<arbitrary>], iteration_bounds = array<i64: 16>, scalar_prefetch = 0 : i64, scratch_operands = 0 : i64, tpu.core_type = #tpu.core_type<tc>, window_params = [{transform_indices = @transform_0, window_bounds = array<i64: 640, 128>}, {pipeline_mode = #tpu.pipeline_mode<synchronous>, transform_indices = @transform_1, window_bounds = array<i64: 128, 128>}, {transform_indices = @transform_2, window_bounds = array<i64: 640, 16>}, {transform_indices = @transform_3, window_bounds = array<i64: 640, 16>}, {transform_indices = @transform_4, window_bounds = array<i64: 640, 128>}, {transform_indices = @transform_5, window_bounds = array<i64: 640, 128>}]} {
    %get3A = arith.constant 0 : index
    %get3A_0 = arith.constant 0 : index
    %get3A_1 = vector.load %arg3[%get3A, %get3A_0] : memref<640x16xf32, #tpu.memory_space<vmem>>, vector<640x1xf32>
    %get3A_2 = arith.constant 0 : index
    %get3A_3 = arith.constant 0 : index
    %get3A_4 = vector.load %arg4[%get3A_2, %get3A_3] : memref<640x16xf32, #tpu.memory_space<vmem>>, vector<640x1xf32>
    %add3A = arith.addf %get3A_1, %get3A_4 : vector<640x1xf32>
    %add3A_5 = arith.constant 1.000000e+00 : f32
    %add3A_6 = vector.broadcast %add3A_5 : f32 to vector<640x1xf32>
    %add3A_7 = arith.addf %add3A, %add3A_6 : vector<640x1xf32>
    %rsqrt3A = math.rsqrt %add3A_7 : vector<640x1xf32>
    %get3A_8 = arith.constant 0 : index
    %get3A_9 = arith.constant 0 : index
    %get3A_10 = vector.load %arg1[%get3A_8, %get3A_9] : memref<640x128xf32, #tpu.memory_space<vmem>>, vector<640x128xf32>
    %get3A_11 = arith.constant 0 : index
    %get3A_12 = arith.constant 0 : index
    %get3A_13 = vector.load %arg2[%get3A_11, %get3A_12] : memref<128x128xf32, #tpu.memory_space<vmem>>, vector<128x128xf32>
    %dot_general3A = arith.constant dense<0.000000e+00> : vector<640x128xf32>
    %dot_general3A_14 = tpu.matmul %get3A_10, %get3A_13, %dot_general3A {dimension_numbers = #tpu.dot_dimension_numbers<[1], [0], [0], [1], [0, 0, 1, 1], [], []>, transpose_lhs_hint = false} : vector<640x128xf32>, vector<128x128xf32>, vector<640x128xf32> -> vector<640x128xf32>
    %mul3A = vector.broadcast %rsqrt3A : vector<640x1xf32> to vector<640x128xf32>
    %mul3A_15 = arith.mulf %mul3A, %dot_general3A_14 : vector<640x128xf32>
    %swap3A = arith.constant 0 : index
    %swap3A_16 = arith.constant 0 : index
    %swap3A_17 = vector.load %arg5[%swap3A, %swap3A_16] : memref<640x128xf32, #tpu.memory_space<vmem>>, vector<640x128xf32>
    tpu.vector_store %arg5[%swap3A, %swap3A_16], %mul3A_15 {strides = array<i32>} : memref<640x128xf32, #tpu.memory_space<vmem>>, vector<640x128xf32>,
    %broadcast_in_dim3A = vector.shape_cast %rsqrt3A : vector<640x1xf32> to vector<640x1xf32>
    %broadcast_in_dim3A_18 = vector.broadcast %broadcast_in_dim3A : vector<640x1xf32> to vector<640x128xf32>
    %swap3A_19 = arith.constant 0 : index
    %swap3A_20 = arith.constant 0 : index
    %swap3A_21 = vector.load %arg6[%swap3A_19, %swap3A_20] : memref<640x128xf32, #tpu.memory_space<vmem>>, vector<640x128xf32>
    tpu.vector_store %arg6[%swap3A_19, %swap3A_20], %broadcast_in_dim3A_18 {strides = array<i32>} : memref<640x128xf32, #tpu.memory_space<vmem>>, vector<640x128xf32>,
    return
  }
  func.func @transform_0(%arg0: i32) -> (i32, i32) {
    %c0_i32 = arith.constant 0 : i32
    %c0_i32_0 = arith.constant 0 : i32
    return %arg0, %c0_i32 : i32, i32
  }
  func.func @transform_1(%arg0: i32) -> (i32, i32) {
    %c0_i32 = arith.constant 0 : i32
    %c0_i32_0 = arith.constant 0 : i32
    %c0_i32_1 = arith.constant 0 : i32
    return %c0_i32, %c0_i32_0 : i32, i32
  }
  func.func @transform_2(%arg0: i32) -> (i32, i32) {
    %c0_i32 = arith.constant 0 : i32
    %c0_i32_0 = arith.constant 0 : i32
    return %arg0, %c0_i32 : i32, i32
  }
  func.func @transform_3(%arg0: i32) -> (i32, i32) {
    %c0_i32 = arith.constant 0 : i32
    %c0_i32_0 = arith.constant 0 : i32
    return %arg0, %c0_i32 : i32, i32
  }
  func.func @transform_4(%arg0: i32) -> (i32, i32) {
    %c0_i32 = arith.constant 0 : i32
    %c0_i32_0 = arith.constant 0 : i32
    return %arg0, %c0_i32 : i32, i32
  }
  func.func @transform_5(%arg0: i32) -> (i32, i32) {
    %c0_i32 = arith.constant 0 : i32
    %c0_i32_0 = arith.constant 0 : i32
    return %arg0, %c0_i32 : i32, i32
  }
}

module attributes {stable_mosaic.version = 14 : i64} {
  func.func @_tc_bc_body(%arg0: i32, %arg1: memref<640x128xf32, #tpu.memory_space<vmem>>, %arg2: memref<640x128xf32, #tpu.memory_space<vmem>>, %arg3: memref<640x128xf32, #tpu.memory_space<vmem>>, %arg4: memref<640x128xf32, #tpu.memory_space<vmem>>, %arg5: memref<1x128xf32, #tpu.memory_space<vmem>>, %arg6: memref<128x128xf32, #tpu.memory_space<vmem>>, %arg7: memref<1x128xf32, #tpu.memory_space<vmem>>, %arg8: memref<640x128xf32, #tpu.memory_space<vmem>>) attributes {dimension_semantics = [#tpu.dimension_semantics<arbitrary>], iteration_bounds = array<i64: 16>, scalar_prefetch = 0 : i64, scratch_operands = 0 : i64, tpu.core_type = #tpu.core_type<tc>, window_params = [{transform_indices = @transform_0, window_bounds = array<i64: 640, 128>}, {transform_indices = @transform_1, window_bounds = array<i64: 640, 128>}, {transform_indices = @transform_2, window_bounds = array<i64: 640, 128>}, {transform_indices = @transform_3, window_bounds = array<i64: 640, 128>}, {pipeline_mode = #tpu.pipeline_mode<synchronous>, transform_indices = @transform_4, window_bounds = array<i64: 1, 128>}, {pipeline_mode = #tpu.pipeline_mode<synchronous>, transform_indices = @transform_5, window_bounds = array<i64: 128, 128>}, {pipeline_mode = #tpu.pipeline_mode<synchronous>, transform_indices = @transform_6, window_bounds = array<i64: 1, 128>}, {transform_indices = @transform_7, window_bounds = array<i64: 640, 128>}]} {
    %get3A = arith.constant 0 : index
    %get3A_0 = arith.constant 0 : index
    %get3A_1 = vector.load %arg4[%get3A, %get3A_0] : memref<640x128xf32, #tpu.memory_space<vmem>>, vector<640x128xf32>
    %get3A_2 = arith.constant 0 : index
    %get3A_3 = arith.constant 0 : index
    %get3A_4 = vector.load %arg1[%get3A_2, %get3A_3] : memref<640x128xf32, #tpu.memory_space<vmem>>, vector<640x128xf32>
    %get3A_5 = arith.constant 0 : index
    %get3A_6 = arith.constant 0 : index
    %get3A_7 = vector.load %arg2[%get3A_5, %get3A_6] : memref<640x128xf32, #tpu.memory_space<vmem>>, vector<640x128xf32>
    %add3A = arith.addf %get3A_4, %get3A_7 : vector<640x128xf32>
    %get3A_8 = arith.constant 0 : index
    %get3A_9 = arith.constant 0 : index
    %get3A_10 = vector.load %arg3[%get3A_8, %get3A_9] : memref<640x128xf32, #tpu.memory_space<vmem>>, vector<640x128xf32>
    %add3A_11 = arith.addf %add3A, %get3A_10 : vector<640x128xf32>
    %mul3A = arith.mulf %get3A_1, %add3A_11 : vector<640x128xf32>
    %get3A_12 = arith.constant 0 : index
    %get3A_13 = arith.constant 0 : index
    %get3A_14 = vector.load %arg5[%get3A_12, %get3A_13] : memref<1x128xf32, #tpu.memory_space<vmem>>, vector<1x128xf32>
    %add3A_15 = vector.broadcast %get3A_14 : vector<1x128xf32> to vector<640x128xf32>
    %add3A_16 = arith.addf %mul3A, %add3A_15 : vector<640x128xf32>
    %get3A_17 = arith.constant 0 : index
    %get3A_18 = arith.constant 0 : index
    %get3A_19 = vector.load %arg6[%get3A_17, %get3A_18] : memref<128x128xf32, #tpu.memory_space<vmem>>, vector<128x128xf32>
    %dot_general3A = arith.constant dense<0.000000e+00> : vector<640x128xf32>
    %dot_general3A_20 = tpu.matmul %add3A_16, %get3A_19, %dot_general3A {dimension_numbers = #tpu.dot_dimension_numbers<[1], [0], [0], [1], [0, 0, 1, 1], [], []>, transpose_lhs_hint = false} : vector<640x128xf32>, vector<128x128xf32>, vector<640x128xf32> -> vector<640x128xf32>
    %get3A_21 = arith.constant 0 : index
    %get3A_22 = arith.constant 0 : index
    %get3A_23 = vector.load %arg7[%get3A_21, %get3A_22] : memref<1x128xf32, #tpu.memory_space<vmem>>, vector<1x128xf32>
    %get3A_24 = arith.constant 0 : index
    %get3A_25 = arith.constant 0 : index
    %get3A_26 = vector.load %arg7[%get3A_24, %get3A_25] : memref<1x128xf32, #tpu.memory_space<vmem>>, vector<1x128xf32>
    %sub3A = arith.constant 1.000000e+00 : f32
    %sub3A_27 = vector.broadcast %sub3A : f32 to vector<1x128xf32>
    %sub3A_28 = arith.subf %sub3A_27, %get3A_26 : vector<1x128xf32>
    %get3A_29 = arith.constant 0 : index
    %get3A_30 = arith.constant 0 : index
    %get3A_31 = vector.load %arg4[%get3A_29, %get3A_30] : memref<640x128xf32, #tpu.memory_space<vmem>>, vector<640x128xf32>
    %mul3A_32 = vector.broadcast %sub3A_28 : vector<1x128xf32> to vector<640x128xf32>
    %mul3A_33 = arith.mulf %mul3A_32, %get3A_31 : vector<640x128xf32>
    %add3A_34 = vector.broadcast %get3A_23 : vector<1x128xf32> to vector<640x128xf32>
    %add3A_35 = arith.addf %add3A_34, %mul3A_33 : vector<640x128xf32>
    %mul3A_36 = arith.mulf %add3A_35, %dot_general3A_20 : vector<640x128xf32>
    %swap3A = arith.constant 0 : index
    %swap3A_37 = arith.constant 0 : index
    %swap3A_38 = vector.load %arg8[%swap3A, %swap3A_37] : memref<640x128xf32, #tpu.memory_space<vmem>>, vector<640x128xf32>
    tpu.vector_store %arg8[%swap3A, %swap3A_37], %mul3A_36 {strides = array<i32>} : memref<640x128xf32, #tpu.memory_space<vmem>>, vector<640x128xf32>,
    return
  }
  func.func @transform_0(%arg0: i32) -> (i32, i32) {
    %c0_i32 = arith.constant 0 : i32
    %c0_i32_0 = arith.constant 0 : i32
    return %arg0, %c0_i32 : i32, i32
  }
  func.func @transform_1(%arg0: i32) -> (i32, i32) {
    %c0_i32 = arith.constant 0 : i32
    %c0_i32_0 = arith.constant 0 : i32
    return %arg0, %c0_i32 : i32, i32
  }
  func.func @transform_2(%arg0: i32) -> (i32, i32) {
    %c0_i32 = arith.constant 0 : i32
    %c0_i32_0 = arith.constant 0 : i32
    return %arg0, %c0_i32 : i32, i32
  }
  func.func @transform_3(%arg0: i32) -> (i32, i32) {
    %c0_i32 = arith.constant 0 : i32
    %c0_i32_0 = arith.constant 0 : i32
    return %arg0, %c0_i32 : i32, i32
  }
  func.func @transform_4(%arg0: i32) -> (i32, i32) {
    %c0_i32 = arith.constant 0 : i32
    %c0_i32_0 = arith.constant 0 : i32
    %c0_i32_1 = arith.constant 0 : i32
    return %c0_i32, %c0_i32_0 : i32, i32
  }
  func.func @transform_5(%arg0: i32) -> (i32, i32) {
    %c0_i32 = arith.constant 0 : i32
    %c0_i32_0 = arith.constant 0 : i32
    %c0_i32_1 = arith.constant 0 : i32
    return %c0_i32, %c0_i32_0 : i32, i32
  }
  func.func @transform_6(%arg0: i32) -> (i32, i32) {
    %c0_i32 = arith.constant 0 : i32
    %c0_i32_0 = arith.constant 0 : i32
    %c0_i32_1 = arith.constant 0 : i32
    return %c0_i32, %c0_i32_0 : i32, i32
  }
  func.func @transform_7(%arg0: i32) -> (i32, i32) {
    %c0_i32 = arith.constant 0 : i32
    %c0_i32_0 = arith.constant 0 : i32
    return %arg0, %c0_i32 : i32, i32
  }
}

</mosaic_0001>

<sc_bundles>
// kernel: closed_call.9.cloned.1.call-start
scs
__scs_entry_jumppad:
0x0: {  	(pc) =	sbr.rel $0x88, $3  }
0x1: {  	(tag) =	ssettag $0x0;
	lr =	simm.s32 $0x1  }
0x2: {  	[smem:$0x3F9B] =	sst lr;
	_ =	strace $0xD0000000  }
0x3: {  	_ = 	snop  }
0x4: {  	_ = 	snop  }
0x5: {  	_ = 	snop  }
0x6: {  	_ = 	snop  }
0x7: {  	_ = 	snop  }
__scs_overlays_trampoline_lowered:
0x8: {  	[smem:$0x3FAA] =	sst s0  }
0x9: {  	[smem:$0x3FAB] =	sst s1  }
0xa: {  	[smem:$0x3FAC] =	sst s2  }
0xb: {  	[smem:$0x3FAD] =	sst s3  }
0xc: {  	[smem:$0x3FAE] =	sst s4  }
0xd: {  	[smem:$0x3FAF] =	sst s5  }
0xe: {  	[smem:$0x3FB0] =	sst s6  }
0xf: {  	[smem:$0x3FB1] =	sst s7  }
0x10: {  	[smem:$0x3FB2] =	sst s8  }
0x11: {  	[smem:$0x3FB3] =	sst s9;
	s0 =	simm.s32 @!p0 $0x0  }
0x12: {  	s1 =	sld [smem:$0x3F99];
	s0 =	simm.s32 @p0 $0x1  }
0x13: {  	[smem:$0x3FB4] =	sst s0;
	s0 =	simm.s32 @!p1 $0x0  }
0x14: {  	s2 =	sld [smem:$0x3F98];
	s0 =	simm.s32 @p1 $0x1  }
0x15: {  	[smem:$0x3FB5] =	sst s0;
	s0 =	simm.s32 @!p2 $0x0  }
0x16: {  	s3 =	sld [smem:$0x3FDB];
	s0 =	simm.s32 @p2 $0x1  }
0x17: {  	s4 =	simm.s32 $0x1BF5;
	[smem:$0x3FB7] =	sst s0  }
0x18: {  	s0 =	sld [smem:$0x3F9A];
	_ =	swait.ge [sflag:s4], $0x0  }
0x19: {  	s7 =	sld [smem:$0x3F9B]  }
0x1a: {  	s8 =	sadd.s32 $0xFFFFE003, lr  }
0x1b: {  	s9 =	sadd.s32 $0xFFFFFEF7, lr;
	s5 =	simm.s32 $0xFFFFFFFF;
	p2 =	slt.u32 s8, $0xFFFFF086  }
0x1c: {  	p1 =	slt.u32 s9, $0xF7A;
	s5 =	simm.s32 @!p2 $0x0  }
0x1d: {  	s5 =	simm.s32 @p1 $0x1;
	p0 =	seq.s32 s7, s2  }
0x1e: {  	s7 =	smul.u32 @!p0 $0xF7A, s2;
	p2 =	seq.s32 @!p0 s5, $0x0  }
0x1f: {  	s9 =	smul.u32 $0xF7A, s1;
	s8 =	simm.s32 @!p0 $0x1BF5;
	p2 =	por !p2, p0  }
0x20: {  	[sflag:s8] =	ssyncset.s32 @!p0 $0xFFFFF086;
	s6 =	sadd.s32 @!p0 s3, s7;
	s7 =	simm.s32 @!p0 $0x108  }
0x21: {  	s3 =	sadd.s32 s3, s9;
	s6 =	sadd.s32 @!p0 $0x88, s6;
	s7 =	simm.s32 @p2 $0x1082  }
0x22: {  	[simem:s7], [sflag:s8] =	dma.local @!p0 [hbm:s6], $0xF7A  }
0x23: {  	s9 =	sor.u32 $0xD0000000, s2;
	s6 =	simm.s32 $0x108;
	_ =	swait.ge @!p0 [sflag:s8], $0x0  }
0x24: {  	s3 =	sadd.s32 $0x88, s3;
	s6 =	simm.s32 @!p1 $0x1082;
	[sflag:s4] =	ssyncset.s32 $0xFFFFF086  }
0x25: {  	[simem:s6], [sflag:s4] =	dma.local [hbm:s3], $0xF7A  }
0x26: {  	[smem:$0x3F9B] =	sst s1;
	(tag) =	ssettag s2;
	_ =	strace s9  }
0x27: {  	s1 =	sld [smem:$0x3FAB]  }
0x28: {  	s2 =	sld [smem:$0x3FAC]  }
0x29: {  	s4 =	sld [smem:$0x3FAE]  }
0x2a: {  	p0 =	seq.s32 s5, $0x0;
	s5 =	sld [smem:$0x3FAF]  }
0x2b: {  	s6 =	sld [smem:$0x3FB0]  }
0x2c: {  	s7 =	sld [smem:$0x3FB1]  }
0x2d: {  	s3 =	simm.s32 $0x108;
	s8 =	sld [smem:$0x3FB2]  }
0x2e: {  	s3 =	simm.s32 @!p0 $0x1082;
	s9 =	sld [smem:$0x3FB3]  }
0x2f: {  	lr =	sadd.s32 s0, s3;
	s0 =	sld [smem:$0x3FAA]  }
0x30: {  	s3 =	sld [smem:$0x3FAD]  }
0x31: {  	[smem:$0x3FB6] =	sst s10  }
0x32: {  	s10 =	sld [smem:$0x3FB4];
	_ =	sdelay $0x3  }
0x33: {  	p0 =	seq.s32 s10, $0x1;
	s10 =	sld [smem:$0x3FB6];
	_ =	sdelay $0x3  }
0x34: {  	[smem:$0x3FB6] =	sst s10  }
0x35: {  	s10 =	sld [smem:$0x3FB5];
	_ =	sdelay $0x3  }
0x36: {  	p1 =	seq.s32 s10, $0x1;
	s10 =	sld [smem:$0x3FB6];
	_ =	sdelay $0x3  }
0x37: {  	[smem:$0x3FB6] =	sst s10  }
0x38: {  	s10 =	sld [smem:$0x3FB7]  }
0x39: {  	_ = 	snop;
	(pc) =	sbr.ind lr, $3  }
0x3a: {  	_ = 	snop  }
0x3b: {  	_ = 	snop  }
0x3c: {  	p2 =	seq.s32 s10, $0x1;
	s10 =	sld [smem:$0x3FB6]  }
0x3d: {  	_ =	shalt  }
0x3e: {  	_ =	shalt  }
0x3f: {  	_ =	shalt  }
0x40: {  	_ =	shalt  }
0x41: {  	_ =	shalt  }
0x42: {  	_ =	shalt  }
0x43: {  	_ =	shalt  }
0x44: {  	_ =	shalt  }
0x45: {  	_ =	shalt  }
0x46: {  	_ =	shalt  }
0x47: {  	_ =	shalt  }
0x48: {  	_ =	shalt  }
0x49: {  	_ =	shalt  }
0x4a: {  	_ =	shalt  }
0x4b: {  	_ =	shalt  }
0x4c: {  	_ =	shalt  }
0x4d: {  	_ =	shalt  }
0x4e: {  	_ =	shalt  }
0x4f: {  	_ =	shalt  }
0x50: {  	_ =	shalt  }
0x51: {  	_ =	shalt  }
0x52: {  	_ =	shalt  }
0x53: {  	_ =	shalt  }
0x54: {  	_ =	shalt  }
0x55: {  	_ =	shalt  }
0x56: {  	_ =	shalt  }
0x57: {  	_ =	shalt  }
0x58: {  	_ =	shalt  }
0x59: {  	_ =	shalt  }
0x5a: {  	_ =	shalt  }
0x5b: {  	_ =	shalt  }
0x5c: {  	_ =	shalt  }
0x5d: {  	_ =	shalt  }
0x5e: {  	_ =	shalt  }
0x5f: {  	_ =	shalt  }
0x60: {  	_ =	shalt  }
0x61: {  	_ =	shalt  }
0x62: {  	_ =	shalt  }
0x63: {  	_ =	shalt  }
0x64: {  	_ =	shalt  }
0x65: {  	_ =	shalt  }
0x66: {  	_ =	shalt  }
0x67: {  	_ =	shalt  }
0x68: {  	_ =	shalt  }
0x69: {  	_ =	shalt  }
0x6a: {  	_ =	shalt  }
0x6b: {  	_ =	shalt  }
0x6c: {  	_ =	shalt  }
0x6d: {  	_ =	shalt  }
0x6e: {  	_ =	shalt  }
0x6f: {  	_ =	shalt  }
0x70: {  	_ =	shalt  }
0x71: {  	_ =	shalt  }
0x72: {  	_ =	shalt  }
0x73: {  	_ =	shalt  }
0x74: {  	_ =	shalt  }
0x75: {  	_ =	shalt  }
0x76: {  	_ =	shalt  }
0x77: {  	_ =	shalt  }
0x78: {  	_ =	shalt  }
0x79: {  	_ =	shalt  }
0x7a: {  	_ =	shalt  }
0x7b: {  	_ =	shalt  }
0x7c: {  	_ =	shalt  }
0x7d: {  	_ =	shalt  }
0x7e: {  	_ =	shalt  }
0x7f: {  	_ =	shalt  }
0x80: {  	_ =	shalt  }
0x81: {  	_ =	shalt  }
0x82: {  	_ =	shalt  }
0x83: {  	_ =	shalt  }
0x84: {  	_ =	shalt  }
0x85: {  	_ =	shalt  }
0x86: {  	_ =	shalt  }
0x87: {  	_ =	shalt  }
.Lfunc_end0:
.L_simem_size_0:
called_computation_lowered:
.L_overlay_start_0:
0x88: {  	s2 =	sld [smem:$0x3FD9]  }
0x89: {  	s3 =	sld [smem:$0x3FFE];
	_ =	sdelay $0x1  }
0x8a: {  	s1 =	srdreg.scid  }
0x8b: {  	s0 =	sand.u32 $0x1, s1  }
0x8c: {  	s17 =	sshll.u32 s0, $0xA;
	s2 =	sadd.s32 s3, s2  }
0x8d: {  	s2 =	sadd.s32 s2, s17  }
0x8e: {  	[smem:$0x3FC2] =	sst s2  }
0x8f: {  	_ = 	snop  }
0x90: {  	s2 =	sld [smem:$0x3FD0];
	(tm) =	ssettm $0x1  }
0x91: {  	s18 =	sld [smem:$0x3FFB];
	_ =	sdelay $0x3  }
0x92: {  	_ =	strace s18  }
0x93: {  	s3 =	sld [smem:$0x3FFC];
	_ =	sdelay $0x3  }
0x94: {  	_ =	strace s3  }
0x95: {  	s3 =	sld [smem:$0x3FFD];
	_ =	sdelay $0x3  }
0x96: {  	_ =	strace s3  }
0x97: {  	_ =	strace $0x8FFFFFFF  }
0x98: {  	s19 =	sld [smem:$0x3FDB];
	_ =	sdelay $0x1  }
0x99: {  	s4 =	simm.s32 $_scs_section_size  }
0x9a: {  	s5 =	simm.s32 $_size__tile_overlayer_lowered;
	s6 =	simm.s32 $_tile_overlayer_lowered  }
0x9b: {  	s22 =	simm.s32 $0x1BFF;
	s21 =	sshll.u32 s6, $0x1;
	s3 =	sadd.s32 s4, s19  }
0x9c: {  	s7 =	simm.s32 $0x0;
	s20 =	sshll.u32 s5, $0x1;
	s5 =	sadd.s32 s21, s3  }
0x9d: {  	[timem:s7], [sflag:s22] =	dma.local [hbm:s5], s20  }
0x9e: {  	_ =	swait.ge [sflag:s22], s20  }
0x9f: {  	s4 =	ssub.s32 $0x0, s20;
	[sflag:s22] =	ssyncset.done $0x0  }
0xa0: {  	[sflag:s22] =	ssyncadd.s32 s4;
	_ =	sdelay $0x1  }
0xa1: {  	s23 =	simm.s32 $0x1B8B  }
0xa2: {  	_ =	swait.ge [sflag:s23], $0x1  }
0xa3: {  	[sflag:s23] =	ssyncset.done $0x0  }
0xa4: {  	s25 =	simm.s32 $0x1B8E;
	s24 =	sld [smem:$0x3FFE];
	[sflag:s23] =	ssyncadd.s32 $0xFFFFFFFF  }
0xa5: {  	s26 =	simm.s32 $execute0_lowered;
	[smem:$0x3FD2] =	sst s25  }
0xa6: {  	s5 =	sshll.u32 s26, $0x1;
	_ =	strace $0x80000049;
	[dreg:$0x1] =	wrdreg $0xFFFFFFFF  }
0xa7: {  	s28 =	simm.s32 $_size_execute0_lowered;
	s3 =	sadd.s32 s3, s5;
	[dreg:$0x0] =	wrdreg $0x0  }
0xa8: {  	s5 =	sshll.u32 s28, $0x1;
	[dreg:$0x2] =	wrdreg s3  }
0xa9: {  	[dreg:$0x3] =	wrdreg s5  }
0xaa: {  	[dreg:$0x4] =	wrdreg $0xC0  }
0xab: {  	_ =	task [dreg:s7], $0x5FFFF  }
0xac: {  	[dreg:$0x1] =	wrdreg $0xFFFFFFFF  }
0xad: {  	[dreg:$0x0] =	wrdreg $0x60  }
0xae: {  	[dreg:$0x2] =	wrdreg s24  }
0xaf: {  	[dreg:$0x3] =	wrdreg s2  }
0xb0: {  	[dreg:$0x4] =	wrdreg $0x90000  }
0xb1: {  	[dreg:$0x5] =	wrdreg $0x9  }
0xb2: {  	_ =	task.clear_ibuf [dreg:s7], $0x6FFFF;
	_ =	strace $0x90000049  }
0xb3: {  	s29 =	simm.s32 $0x9;
	_ =	strace $0x8000004B  }
0xb4: {  	_ =	swait.ge [sflag:s29], $0x1  }
0xb5: {  	[sflag:s29] =	ssyncadd.s32 $0xFFFFFFFF  }
0xb6: {  	_ =	strace $0x9000004B  }
0xb7: {  	_ =	sfence  }
0xb8: {  	s30 =	sld [smem:$0x0];
	_ =	sdelay $0x2  }
0xb9: {  	s31 =	sshll.u32 s1, $0xD;
	s1 =	sshrl.u32 s1, $0x2  }
0xba: {  	s3 =	sand.u32 $0x4000, s31;
	s1 =	sadd.s32 s1, s30  }
0xbb: {  	s0 =	sor.u32 s3, s0;
	s1 =	sshll.u32 s1, $0x11  }
0xbc: {  	s0 =	sor.u32 s1, s0  }
0xbd: {  	s0 =	sadd.s32 $0x8F2B, s0  }
0xbe: {  	[sflag:s0] =	ssyncadd.remote.s32 $0x1  }
0xbf: {  	_ =	sfence.sel $0xFFFF  }
0xc0: {  	[dreg:$0x0] =	wrdreg $0xFFFFFFFF;
	(pc) =	sbr.abs _section_cstart, $3  }
0xc1: {  	[dreg:$0x1] =	wrdreg $0xFFFFFFFF  }
0xc2: {  	_ =	task.clear_ibuf [dreg:s7], $0x2FFFF;
	_ =	strace $0x9FFFFFFF  }
0xc3: {  	(tm) =	ssettm $0x7FFFFFFF  }
tec
execute0_lowered:
.L_overlay_start_1:
0x0: {  	(tag) =	ssettag $0x1  }
0x1: {  	s0 =	rddreg [dreg:$0x0]  }
0x2: {  	s1 =	rddreg [dreg:$0x1]  }
0x3: {  	s2 =	rddreg [dreg:$0x2]  }
0x4: {  	s9 =	stileid.u32;
	s4 =	srdreg.scid  }
0x5: {  	s3 =	simm.s32 $0x0;
	s12 =	simm.s32 $0x400;
	s13 =	simm.s32 $0x80  }
0x6: {  	s14 =	simm.s32 $0x800;
	s15 =	simm.s32 $0x4800;
	s16 =	simm.s32 $0x1  }
0x7: {  	s17 =	simm.s32 $0x100;
	s18 =	simm.s32 $0x2;
	s19 =	simm.s32 $0x480  }
0x8: {  	s20 =	simm.s32 $0x180;
	s21 =	simm.s32 $0x500;
	s28 =	simm.s32 $0x680  }
0x9: {  	s29 =	simm.s32 $0x380;
	s30 =	simm.s32 $0x700;
	s6 =	smul.u32 $0x2800, s9  }
0xa: {  	s31 =	simm.s32 $0x780;
	s5 =	sand.u32 $0x1, s4;
	s8 =	smul.u32 $0xA00, s9  }
0xb: {  	[smem:$0x7FF] =	sst s3;
	s4 =	sadd.s32 $0xCC00, s0;
	s22 =	smul.u32 $0x50000, s9  }
0xc: {  	s7 =	smul.u32 $0x28000, s5;
	_ =	strace $0x8000004A;
	s24 =	ssub.s32 $0x2, s5  }
0xd: {  	s11 =	smul.u32 $0x500, s5;
	s23 =	sadd.s32 s8, s0;
	s10 =	sshrl.u32 s24, $0x1  }
0xe: {  	s1 =	sadd.s32 s8, s1;
	s6 =	sadd.s32 s6, s7;
	s7 =	sshrl.u32 s22, $0x2  }
0xf: {  	s26 =	sadd.s32 s11, s23;
	s9 =	sadd.s32 s11, s1;
	s11 =	simm.s32 $0x3  }
0x10: {  	s22 =	simm.s32 $0x200;
	s23 =	simm.s32 $0x580;
	s1 =	simm.s32 $0x0  }
0x11: {  	s0 =	sadd.s32 s6, s0;
	s6 =	ssub.s32 s24, s10;
	s5 =	sadd.s32 s7, s2  }
0x12: {  	s8 =	sadd.s32 $0x2C00, s26;
	s10 =	simm.s32 $0x8800;
	s0 =	sadd.s32 $0x52E00, s0  }
0x13: {  	s24 =	simm.s32 $0x280;
	s25 =	smax.u32 s6, $0x1;
	[dreg:$0x4] =	wrdreg s0  }
0x14: {  	v0 =	vimm.f32 $0.0e+00;
	s26 =	simm.s32 $0x300;
	[dreg:$0x5] =	wrdreg s25;
	s25 =	simm.s32 $0x600  }
.LBB2_1:
0x15: {  	[dreg:$0x6] =	wrdreg s1;
	s1 =	simm.s32 $0x0;
	s6 =	simm.s32 $0x0  }
.LBB2_2:
0x16: {  	p0 =	sne.s32 s6, $0x1FC0  }
.Ltmp0:
0x17: {  	_ = 	snop;
	(pc) =	sbr.rel @p0 .LBB2_2-.Ltmp0, $4  }
0x18: {  	s7 =	sand.u32 $0x1E00, s6  }
0x19: {  	s0 =	sand.u32 $0x70, s1;
	s7 =	sshrl.u32 s7, $0x2  }
0x1a: {  	s0 =	sor.u32 s0, s7  }
0x1b: {  	s1 =	sadd.s32 $0x10, s1;
	s6 =	sadd.s32 $0x40, s6;
	[tilespmem:s0+$0x8800] =	vst v0  }
0x1c: {  	s0 =	sadd.s32 $0x0, s5  }
0x1d: {  	[spmem:s0] =	stream.linear.scatter [tilespmem:s10], [sflag:$0x3], $0x800, $0x38;
	[tilespmem:$0x1D000] =	vst v63  }
0x1e: {  	s1 =	simm.s32 $0x2000;
	_ =	swait.ge [sflag:s11], $0x800  }
.LBB2_4:
0x1f: {  	s0 =	sshra.s32 s1, $0x2;
	[sflag:s11] =	ssyncset.done $0x0;
	p0 =	sne.s32 s1, $0x4E000  }
.Ltmp1:
0x20: {  	s0 =	sadd.s32 s0, s5;
	[sflag:s11] =	ssyncadd.s32 $0xFFFFF800;
	(pc) =	sbr.rel @p0 .LBB2_4-.Ltmp1, $3  }
0x21: {  	[spmem:s0] =	stream.linear.scatter [tilespmem:s10], [sflag:$0x3], $0x800, $0x38;
	[tilespmem:$0x1D000] =	vst v63  }
0x22: {  	s1 =	sadd.s32 $0x2000, s1;
	_ =	sdelay $0x1  }
0x23: {  	_ =	swait.ge [sflag:s11], $0x800  }
0x24: {  	[sflag:s11] =	ssyncset.done $0x0  }
0x25: {  	[sflag:s11] =	ssyncadd.s32 $0xFFFFF800  }
0x26: {  	s0 =	sadd.s32 $0x0, s9;
	[bflag:$0x0] =	sbarrier.arrive $0xFFFF  }
0x27: {  	[tilespmem:s3], [sflag:$0x3] =	stream.linear.gather [hbm4b:s0+s3], $0x400, $0x38;
	[tilespmem:$0x1D000] =	vst v63  }
0x28: {  	_ =	swait.ge [sflag:s11], $0x400  }
0x29: {  	[sflag:s11] =	ssyncset.done $0x0  }
0x2a: {  	s10 =	sadd.s32 $0x0, s8;
	[sflag:s11] =	ssyncadd.s32 $0xFFFFFC00  }
0x2b: {  	[tilespmem:s12], [sflag:$0x3] =	stream.linear.gather [hbm4b:s10+s3], $0x400, $0x38;
	[tilespmem:$0x1D000] =	vst v63  }
0x2c: {  	_ =	swait.ge [sflag:s11], $0x400  }
0x2d: {  	[sflag:s11] =	ssyncset.done $0x0  }
0x2e: {  	[sflag:s11] =	ssyncadd.s32 $0xFFFFFC00  }
0x2f: {  	[tilespmem:s14], [sflag:$0x1] =	stream.indirect.gather [hbm4b:s4+s13], $0x80, s3, s13, $0xb8;
	[tilespmem:$0x1D000] =	vst v63  }
0x30: {  	_ = 	snop  }
0x31: {  	[tilespmem:s15], [sflag:$0x2] =	stream.indirect.gather [hbm4b:s4+s13], $0x80, s13, s13, $0xb8;
	[tilespmem:$0x1D000] =	vst v63  }
0x32: {  	_ =	swait.ge [sflag:s16], $0x4000  }
0x33: {  	[sflag:s16] =	ssyncset.done $0x0  }
0x34: {  	[sflag:s16] =	ssyncadd.s32 $0xFFFFC000  }
0x35: {  	[spmem:s2] =	stream.indirect.scatter.add.f32 [tilespmem:s14], [sflag:$0x3], $0x80, s12, s13, $0xb8;
	[tilespmem:$0x1D000] =	vst v63  }
0x36: {  	_ =	swait.ge [sflag:s11], $0x4000  }
0x37: {  	[sflag:s11] =	ssyncset.done $0x0  }
0x38: {  	[sflag:s11] =	ssyncadd.s32 $0xFFFFC000  }
0x39: {  	[tilespmem:s14], [sflag:$0x1] =	stream.indirect.gather [hbm4b:s4+s13], $0x80, s17, s13, $0xb8;
	[tilespmem:$0x1D000] =	vst v63  }
0x3a: {  	_ =	swait.ge [sflag:s18], $0x4000  }
0x3b: {  	[sflag:s18] =	ssyncset.done $0x0  }
0x3c: {  	[sflag:s18] =	ssyncadd.s32 $0xFFFFC000  }
0x3d: {  	[spmem:s2] =	stream.indirect.scatter.add.f32 [tilespmem:s15], [sflag:$0x3], $0x80, s19, s13, $0xb8;
	[tilespmem:$0x1D000] =	vst v63  }
0x3e: {  	_ =	swait.ge [sflag:s11], $0x4000  }
0x3f: {  	[sflag:s11] =	ssyncset.done $0x0  }
0x40: {  	[sflag:s11] =	ssyncadd.s32 $0xFFFFC000  }
0x41: {  	[tilespmem:s15], [sflag:$0x2] =	stream.indirect.gather [hbm4b:s4+s13], $0x80, s20, s13, $0xb8;
	[tilespmem:$0x1D000] =	vst v63  }
0x42: {  	_ =	swait.ge [sflag:s16], $0x4000  }
0x43: {  	[sflag:s16] =	ssyncset.done $0x0  }
0x44: {  	[sflag:s16] =	ssyncadd.s32 $0xFFFFC000  }
0x45: {  	[spmem:s2] =	stream.indirect.scatter.add.f32 [tilespmem:s14], [sflag:$0x3], $0x80, s21, s13, $0xb8;
	[tilespmem:$0x1D000] =	vst v63  }
0x46: {  	_ =	swait.ge [sflag:s11], $0x4000  }
0x47: {  	[sflag:s11] =	ssyncset.done $0x0  }
0x48: {  	[sflag:s11] =	ssyncadd.s32 $0xFFFFC000  }
0x49: {  	[tilespmem:s14], [sflag:$0x1] =	stream.indirect.gather [hbm4b:s4+s13], $0x80, s22, s13, $0xb8;
	[tilespmem:$0x1D000] =	vst v63  }
0x4a: {  	_ =	swait.ge [sflag:s18], $0x4000  }
0x4b: {  	[sflag:s18] =	ssyncset.done $0x0  }
0x4c: {  	[sflag:s18] =	ssyncadd.s32 $0xFFFFC000  }
0x4d: {  	[spmem:s2] =	stream.indirect.scatter.add.f32 [tilespmem:s15], [sflag:$0x3], $0x80, s23, s13, $0xb8;
	[tilespmem:$0x1D000] =	vst v63  }
0x4e: {  	_ =	swait.ge [sflag:s11], $0x4000  }
0x4f: {  	[sflag:s11] =	ssyncset.done $0x0  }
0x50: {  	[sflag:s11] =	ssyncadd.s32 $0xFFFFC000  }
0x51: {  	[tilespmem:s15], [sflag:$0x2] =	stream.indirect.gather [hbm4b:s4+s13], $0x80, s24, s13, $0xb8;
	[tilespmem:$0x1D000] =	vst v63  }
0x52: {  	_ =	swait.ge [sflag:s16], $0x4000  }
0x53: {  	[sflag:s16] =	ssyncset.done $0x0  }
0x54: {  	[sflag:s16] =	ssyncadd.s32 $0xFFFFC000  }
0x55: {  	[spmem:s2] =	stream.indirect.scatter.add.f32 [tilespmem:s14], [sflag:$0x3], $0x80, s25, s13, $0xb8;
	[tilespmem:$0x1D000] =	vst v63  }
0x56: {  	_ =	swait.ge [sflag:s11], $0x4000  }
0x57: {  	[sflag:s11] =	ssyncset.done $0x0  }
0x58: {  	[sflag:s11] =	ssyncadd.s32 $0xFFFFC000  }
0x59: {  	[tilespmem:s14], [sflag:$0x1] =	stream.indirect.gather [hbm4b:s4+s13], $0x80, s26, s13, $0xb8;
	[tilespmem:$0x1D000] =	vst v63  }
0x5a: {  	_ =	swait.ge [sflag:s18], $0x4000  }
0x5b: {  	[sflag:s18] =	ssyncset.done $0x0  }
0x5c: {  	[sflag:s18] =	ssyncadd.s32 $0xFFFFC000  }
0x5d: {  	[spmem:s2] =	stream.indirect.scatter.add.f32 [tilespmem:s15], [sflag:$0x3], $0x80, s28, s13, $0xb8;
	[tilespmem:$0x1D000] =	vst v63  }
0x5e: {  	_ =	swait.ge [sflag:s11], $0x4000  }
0x5f: {  	[sflag:s11] =	ssyncset.done $0x0  }
0x60: {  	[sflag:s11] =	ssyncadd.s32 $0xFFFFC000  }
0x61: {  	[tilespmem:s15], [sflag:$0x2] =	stream.indirect.gather [hbm4b:s4+s13], $0x80, s29, s13, $0xb8;
	[tilespmem:$0x1D000] =	vst v63  }
0x62: {  	_ =	swait.ge [sflag:s16], $0x4000  }
0x63: {  	[sflag:s16] =	ssyncset.done $0x0  }
0x64: {  	[sflag:s16] =	ssyncadd.s32 $0xFFFFC000  }
0x65: {  	[spmem:s2] =	stream.indirect.scatter.add.f32 [tilespmem:s14], [sflag:$0x3], $0x80, s30, s13, $0xb8;
	[tilespmem:$0x1D000] =	vst v63  }
0x66: {  	_ =	swait.ge [sflag:s11], $0x4000  }
0x67: {  	[sflag:s11] =	ssyncset.done $0x0  }
0x68: {  	[sflag:s11] =	ssyncadd.s32 $0xFFFFC000  }
0x69: {  	_ =	swait.ge [sflag:s18], $0x4000  }
0x6a: {  	[sflag:s18] =	ssyncset.done $0x0  }
0x6b: {  	[sflag:s18] =	ssyncadd.s32 $0xFFFFC000  }
0x6c: {  	[spmem:s2] =	stream.indirect.scatter.add.f32 [tilespmem:s15], [sflag:$0x3], $0x80, s31, s13, $0xb8;
	[tilespmem:$0x1D000] =	vst v63  }
0x6d: {  	_ =	swait.ge [sflag:s11], $0x4000  }
0x6e: {  	s1 =	simm.s32 $0x80;
	s6 =	simm.s32 $0x100;
	[sflag:s11] =	ssyncset.done $0x0  }
.LBB2_6:
0x6f: {  	s0 =	sadd.s32 s1, s9  }
0x70: {  	[sflag:s11] =	ssyncadd.s32 $0xFFFFC000;
	s10 =	smov.u32 s6;
	s7 =	sadd.s32 $0x80, s6  }
0x71: {  	[tilespmem:s3], [sflag:$0x3] =	stream.linear.gather [hbm4b:s0+s3], $0x400, $0x38;
	[tilespmem:$0x1D000] =	vst v63  }
0x72: {  	p0 =	sne.s32 s6, $0x480;
	_ =	swait.ge [sflag:s11], $0x400  }
0x73: {  	[sflag:s11] =	ssyncset.done $0x0  }
0x74: {  	s0 =	sadd.s32 s1, s8;
	s1 =	smov.u32 s10;
	[sflag:s11] =	ssyncadd.s32 $0xFFFFFC00  }
0x75: {  	[tilespmem:s12], [sflag:$0x3] =	stream.linear.gather [hbm4b:s0+s3], $0x400, $0x38;
	[tilespmem:$0x1D000] =	vst v63  }
0x76: {  	_ =	swait.ge [sflag:s11], $0x400  }
0x77: {  	[sflag:s11] =	ssyncset.done $0x0  }
0x78: {  	[sflag:s11] =	ssyncadd.s32 $0xFFFFFC00  }
0x79: {  	[tilespmem:s14], [sflag:$0x1] =	stream.indirect.gather [hbm4b:s4+s13], $0x80, s3, s13, $0xb8;
	[tilespmem:$0x1D000] =	vst v63  }
0x7a: {  	_ = 	snop  }
0x7b: {  	[tilespmem:s15], [sflag:$0x2] =	stream.indirect.gather [hbm4b:s4+s13], $0x80, s13, s13, $0xb8;
	[tilespmem:$0x1D000] =	vst v63  }
0x7c: {  	_ =	swait.ge [sflag:s16], $0x4000  }
0x7d: {  	[sflag:s16] =	ssyncset.done $0x0  }
0x7e: {  	[sflag:s16] =	ssyncadd.s32 $0xFFFFC000  }
0x7f: {  	[spmem:s2] =	stream.indirect.scatter.add.f32 [tilespmem:s14], [sflag:$0x3], $0x80, s12, s13, $0xb8;
	[tilespmem:$0x1D000] =	vst v63  }
0x80: {  	_ =	swait.ge [sflag:s11], $0x4000  }
0x81: {  	[sflag:s11] =	ssyncset.done $0x0  }
0x82: {  	[sflag:s11] =	ssyncadd.s32 $0xFFFFC000  }
0x83: {  	[tilespmem:s14], [sflag:$0x1] =	stream.indirect.gather [hbm4b:s4+s13], $0x80, s17, s13, $0xb8;
	[tilespmem:$0x1D000] =	vst v63  }
0x84: {  	_ =	swait.ge [sflag:s18], $0x4000  }
0x85: {  	[sflag:s18] =	ssyncset.done $0x0  }
0x86: {  	[sflag:s18] =	ssyncadd.s32 $0xFFFFC000  }
0x87: {  	[spmem:s2] =	stream.indirect.scatter.add.f32 [tilespmem:s15], [sflag:$0x3], $0x80, s19, s13, $0xb8;
	[tilespmem:$0x1D000] =	vst v63  }
0x88: {  	_ =	swait.ge [sflag:s11], $0x4000  }
0x89: {  	[sflag:s11] =	ssyncset.done $0x0  }
0x8a: {  	[sflag:s11] =	ssyncadd.s32 $0xFFFFC000  }
0x8b: {  	[tilespmem:s15], [sflag:$0x2] =	stream.indirect.gather [hbm4b:s4+s13], $0x80, s20, s13, $0xb8;
	[tilespmem:$0x1D000] =	vst v63  }
0x8c: {  	_ =	swait.ge [sflag:s16], $0x4000  }
0x8d: {  	[sflag:s16] =	ssyncset.done $0x0  }
0x8e: {  	[sflag:s16] =	ssyncadd.s32 $0xFFFFC000  }
0x8f: {  	[spmem:s2] =	stream.indirect.scatter.add.f32 [tilespmem:s14], [sflag:$0x3], $0x80, s21, s13, $0xb8;
	[tilespmem:$0x1D000] =	vst v63  }
0x90: {  	_ =	swait.ge [sflag:s11], $0x4000  }
0x91: {  	[sflag:s11] =	ssyncset.done $0x0  }
0x92: {  	[sflag:s11] =	ssyncadd.s32 $0xFFFFC000  }
0x93: {  	[tilespmem:s14], [sflag:$0x1] =	stream.indirect.gather [hbm4b:s4+s13], $0x80, s22, s13, $0xb8;
	[tilespmem:$0x1D000] =	vst v63  }
0x94: {  	_ =	swait.ge [sflag:s18], $0x4000  }
0x95: {  	[sflag:s18] =	ssyncset.done $0x0  }
0x96: {  	[sflag:s18] =	ssyncadd.s32 $0xFFFFC000  }
0x97: {  	[spmem:s2] =	stream.indirect.scatter.add.f32 [tilespmem:s15], [sflag:$0x3], $0x80, s23, s13, $0xb8;
	[tilespmem:$0x1D000] =	vst v63  }
0x98: {  	_ =	swait.ge [sflag:s11], $0x4000  }
0x99: {  	[sflag:s11] =	ssyncset.done $0x0  }
0x9a: {  	[sflag:s11] =	ssyncadd.s32 $0xFFFFC000  }
0x9b: {  	[tilespmem:s15], [sflag:$0x2] =	stream.indirect.gather [hbm4b:s4+s13], $0x80, s24, s13, $0xb8;
	[tilespmem:$0x1D000] =	vst v63  }
0x9c: {  	_ =	swait.ge [sflag:s16], $0x4000  }
0x9d: {  	[sflag:s16] =	ssyncset.done $0x0  }
0x9e: {  	[sflag:s16] =	ssyncadd.s32 $0xFFFFC000  }
0x9f: {  	[spmem:s2] =	stream.indirect.scatter.add.f32 [tilespmem:s14], [sflag:$0x3], $0x80, s25, s13, $0xb8;
	[tilespmem:$0x1D000] =	vst v63  }
0xa0: {  	_ =	swait.ge [sflag:s11], $0x4000  }
0xa1: {  	[sflag:s11] =	ssyncset.done $0x0  }
0xa2: {  	[sflag:s11] =	ssyncadd.s32 $0xFFFFC000  }
0xa3: {  	[tilespmem:s14], [sflag:$0x1] =	stream.indirect.gather [hbm4b:s4+s13], $0x80, s26, s13, $0xb8;
	[tilespmem:$0x1D000] =	vst v63  }
0xa4: {  	_ =	swait.ge [sflag:s18], $0x4000  }
0xa5: {  	[sflag:s18] =	ssyncset.done $0x0  }
0xa6: {  	[sflag:s18] =	ssyncadd.s32 $0xFFFFC000  }
0xa7: {  	[spmem:s2] =	stream.indirect.scatter.add.f32 [tilespmem:s15], [sflag:$0x3], $0x80, s28, s13, $0xb8;
	[tilespmem:$0x1D000] =	vst v63  }
0xa8: {  	_ =	swait.ge [sflag:s11], $0x4000  }
0xa9: {  	[sflag:s11] =	ssyncset.done $0x0  }
0xaa: {  	[sflag:s11] =	ssyncadd.s32 $0xFFFFC000  }
0xab: {  	[tilespmem:s15], [sflag:$0x2] =	stream.indirect.gather [hbm4b:s4+s13], $0x80, s29, s13, $0xb8;
	[tilespmem:$0x1D000] =	vst v63  }
0xac: {  	_ =	swait.ge [sflag:s16], $0x4000  }
0xad: {  	[sflag:s16] =	ssyncset.done $0x0  }
0xae: {  	[sflag:s16] =	ssyncadd.s32 $0xFFFFC000  }
0xaf: {  	[spmem:s2] =	stream.indirect.scatter.add.f32 [tilespmem:s14], [sflag:$0x3], $0x80, s30, s13, $0xb8;
	[tilespmem:$0x1D000] =	vst v63  }
0xb0: {  	_ =	swait.ge [sflag:s11], $0x4000  }
0xb1: {  	[sflag:s11] =	ssyncset.done $0x0  }
0xb2: {  	[sflag:s11] =	ssyncadd.s32 $0xFFFFC000  }
0xb3: {  	_ =	swait.ge [sflag:s18], $0x4000  }
.Ltmp2:
0xb4: {  	[sflag:s18] =	ssyncset.done $0x0;
	(pc) =	sbr.rel @p0 .LBB2_6-.Ltmp2, $4  }
0xb5: {  	[sflag:s18] =	ssyncadd.s32 $0xFFFFC000  }
0xb6: {  	[spmem:s2] =	stream.indirect.scatter.add.f32 [tilespmem:s15], [sflag:$0x3], $0x80, s31, s13, $0xb8;
	[tilespmem:$0x1D000] =	vst v63  }
0xb7: {  	_ =	swait.ge [sflag:s11], $0x4000  }
0xb8: {  	s6 =	smov.u32 s7;
	[sflag:s11] =	ssyncset.done $0x0  }
0xb9: {  	s0 =	sadd.s32 s1, s9;
	[sflag:s11] =	ssyncadd.s32 $0xFFFFC000  }
0xba: {  	[tilespmem:s3], [sflag:$0x3] =	stream.linear.gather [hbm4b:s0+s3], $0x400, $0x38;
	[tilespmem:$0x1D000] =	vst v63  }
0xbb: {  	_ =	swait.ge [sflag:s11], $0x400  }
0xbc: {  	[sflag:s11] =	ssyncset.done $0x0  }
0xbd: {  	s6 =	sadd.s32 s1, s8;
	[sflag:s11] =	ssyncadd.s32 $0xFFFFFC00  }
0xbe: {  	[tilespmem:s12], [sflag:$0x3] =	stream.linear.gather [hbm4b:s6+s3], $0x400, $0x38;
	[tilespmem:$0x1D000] =	vst v63  }
0xbf: {  	_ =	swait.ge [sflag:s11], $0x400  }
0xc0: {  	[sflag:s11] =	ssyncset.done $0x0  }
0xc1: {  	[sflag:s11] =	ssyncadd.s32 $0xFFFFFC00  }
0xc2: {  	[tilespmem:s14], [sflag:$0x1] =	stream.indirect.gather [hbm4b:s4+s13], $0x80, s3, s13, $0xb8;
	[tilespmem:$0x1D000] =	vst v63  }
0xc3: {  	_ = 	snop  }
0xc4: {  	[tilespmem:s15], [sflag:$0x2] =	stream.indirect.gather [hbm4b:s4+s13], $0x80, s13, s13, $0xb8;
	[tilespmem:$0x1D000] =	vst v63  }
0xc5: {  	_ =	swait.ge [sflag:s16], $0x4000  }
0xc6: {  	[sflag:s16] =	ssyncset.done $0x0  }
0xc7: {  	[sflag:s16] =	ssyncadd.s32 $0xFFFFC000  }
0xc8: {  	[spmem:s2] =	stream.indirect.scatter.add.f32 [tilespmem:s14], [sflag:$0x3], $0x80, s12, s13, $0xb8;
	[tilespmem:$0x1D000] =	vst v63  }
0xc9: {  	_ =	swait.ge [sflag:s11], $0x4000  }
0xca: {  	[sflag:s11] =	ssyncset.done $0x0  }
0xcb: {  	[sflag:s11] =	ssyncadd.s32 $0xFFFFC000  }
0xcc: {  	[tilespmem:s14], [sflag:$0x1] =	stream.indirect.gather [hbm4b:s4+s13], $0x80, s17, s13, $0xb8;
	[tilespmem:$0x1D000] =	vst v63  }
0xcd: {  	_ =	swait.ge [sflag:s18], $0x4000  }
0xce: {  	[sflag:s18] =	ssyncset.done $0x0  }
0xcf: {  	[sflag:s18] =	ssyncadd.s32 $0xFFFFC000  }
0xd0: {  	[spmem:s2] =	stream.indirect.scatter.add.f32 [tilespmem:s15], [sflag:$0x3], $0x80, s19, s13, $0xb8;
	[tilespmem:$0x1D000] =	vst v63  }
0xd1: {  	_ =	swait.ge [sflag:s11], $0x4000  }
0xd2: {  	[sflag:s11] =	ssyncset.done $0x0  }
0xd3: {  	[sflag:s11] =	ssyncadd.s32 $0xFFFFC000  }
0xd4: {  	[tilespmem:s15], [sflag:$0x2] =	stream.indirect.gather [hbm4b:s4+s13], $0x80, s20, s13, $0xb8;
	[tilespmem:$0x1D000] =	vst v63  }
0xd5: {  	_ =	swait.ge [sflag:s16], $0x4000  }
0xd6: {  	[sflag:s16] =	ssyncset.done $0x0  }
0xd7: {  	[sflag:s16] =	ssyncadd.s32 $0xFFFFC000  }
0xd8: {  	[spmem:s2] =	stream.indirect.scatter.add.f32 [tilespmem:s14], [sflag:$0x3], $0x80, s21, s13, $0xb8;
	[tilespmem:$0x1D000] =	vst v63  }
0xd9: {  	_ =	swait.ge [sflag:s11], $0x4000  }
0xda: {  	[sflag:s11] =	ssyncset.done $0x0  }
0xdb: {  	[sflag:s11] =	ssyncadd.s32 $0xFFFFC000  }
0xdc: {  	[tilespmem:s14], [sflag:$0x1] =	stream.indirect.gather [hbm4b:s4+s13], $0x80, s22, s13, $0xb8;
	[tilespmem:$0x1D000] =	vst v63  }
0xdd: {  	_ =	swait.ge [sflag:s18], $0x4000  }
0xde: {  	[sflag:s18] =	ssyncset.done $0x0  }
0xdf: {  	[sflag:s18] =	ssyncadd.s32 $0xFFFFC000  }
0xe0: {  	[spmem:s2] =	stream.indirect.scatter.add.f32 [tilespmem:s15], [sflag:$0x3], $0x80, s23, s13, $0xb8;
	[tilespmem:$0x1D000] =	vst v63  }
0xe1: {  	_ =	swait.ge [sflag:s11], $0x4000  }
0xe2: {  	[sflag:s11] =	ssyncset.done $0x0  }
0xe3: {  	[sflag:s11] =	ssyncadd.s32 $0xFFFFC000  }
0xe4: {  	[tilespmem:s15], [sflag:$0x2] =	stream.indirect.gather [hbm4b:s4+s13], $0x80, s24, s13, $0xb8;
	[tilespmem:$0x1D000] =	vst v63  }
0xe5: {  	_ =	swait.ge [sflag:s16], $0x4000  }
0xe6: {  	[sflag:s16] =	ssyncset.done $0x0  }
0xe7: {  	[sflag:s16] =	ssyncadd.s32 $0xFFFFC000  }
0xe8: {  	[spmem:s2] =	stream.indirect.scatter.add.f32 [tilespmem:s14], [sflag:$0x3], $0x80, s25, s13, $0xb8;
	[tilespmem:$0x1D000] =	vst v63  }
0xe9: {  	_ =	swait.ge [sflag:s11], $0x4000  }
0xea: {  	[sflag:s11] =	ssyncset.done $0x0  }
0xeb: {  	[sflag:s11] =	ssyncadd.s32 $0xFFFFC000  }
0xec: {  	[tilespmem:s14], [sflag:$0x1] =	stream.indirect.gather [hbm4b:s4+s13], $0x80, s26, s13, $0xb8;
	[tilespmem:$0x1D000] =	vst v63  }
0xed: {  	_ =	swait.ge [sflag:s18], $0x4000  }
0xee: {  	[sflag:s18] =	ssyncset.done $0x0  }
0xef: {  	[sflag:s18] =	ssyncadd.s32 $0xFFFFC000  }
0xf0: {  	[spmem:s2] =	stream.indirect.scatter.add.f32 [tilespmem:s15], [sflag:$0x3], $0x80, s28, s13, $0xb8;
	[tilespmem:$0x1D000] =	vst v63  }
0xf1: {  	_ =	swait.ge [sflag:s11], $0x4000  }
0xf2: {  	[sflag:s11] =	ssyncset.done $0x0  }
0xf3: {  	[sflag:s11] =	ssyncadd.s32 $0xFFFFC000  }
0xf4: {  	[tilespmem:s15], [sflag:$0x2] =	stream.indirect.gather [hbm4b:s4+s13], $0x80, s29, s13, $0xb8;
	[tilespmem:$0x1D000] =	vst v63  }
0xf5: {  	_ =	swait.ge [sflag:s16], $0x4000  }
0xf6: {  	[sflag:s16] =	ssyncset.done $0x0  }
0xf7: {  	[sflag:s16] =	ssyncadd.s32 $0xFFFFC000  }
0xf8: {  	[spmem:s2] =	stream.indirect.scatter.add.f32 [tilespmem:s14], [sflag:$0x3], $0x80, s30, s13, $0xb8;
	[tilespmem:$0x1D000] =	vst v63  }
0xf9: {  	_ =	swait.ge [sflag:s11], $0x4000  }
0xfa: {  	[sflag:s11] =	ssyncset.done $0x0  }
0xfb: {  	[sflag:s11] =	ssyncadd.s32 $0xFFFFC000  }
0xfc: {  	_ =	swait.ge [sflag:s18], $0x4000  }
0xfd: {  	[sflag:s18] =	ssyncset.done $0x0  }
0xfe: {  	[sflag:s18] =	ssyncadd.s32 $0xFFFFC000  }
0xff: {  	[spmem:s2] =	stream.indirect.scatter.add.f32 [tilespmem:s15], [sflag:$0x3], $0x80, s31, s13, $0xb8;
	[tilespmem:$0x1D000] =	vst v63  }
0x100: {  	_ =	swait.ge [sflag:s11], $0x4000  }
0x101: {  	[sflag:s11] =	ssyncset.done $0x0  }
0x102: {  	s7 =	stileid.u32;
	[sflag:s11] =	ssyncadd.s32 $0xFFFFC000  }
0x103: {  	s0 =	sshll.u32 s7, $0x6;
	[bflag:$0x0] =	sbarrier.arrive $0xFFFF  }
0x104: {  	s10 =	sshrl.u32 s5, $0x3;
	s0 =	sor.u32 $0x1C03, s0;
	s6 =	rddreg [dreg:$0x4]  }
0x105: {  	[hbm:s6], [sflag:s0] =	dma.local [spmem:s10], $0x2800  }
0x106: {  	_ =	swait.ge [sflag:s11], $0x2800  }
0x107: {  	s7 =	rddreg [dreg:$0x6]  }
0x108: {  	s10 =	rddreg [dreg:$0x5];
	s1 =	sadd.s32 $0x1, s7  }
0x109: {  	p0 =	sne.s32 s1, s10  }
.Ltmp3:
0x10a: {  	_ = 	snop;
	(pc) =	sbr.rel @p0 .LBB2_1-.Ltmp3, $3  }
0x10b: {  	_ =	sdelay $0x1  }
0x10c: {  	[sflag:s11] =	ssyncset.done $0x0  }
0x10d: {  	[sflag:s11] =	ssyncadd.s32 $0xFFFFD800;
	s10 =	simm.s32 $0x8800  }
0x10e: {  	_ =	sfence.sel $0x180000  }
0x10f: {  	[bflag:$0x0] =	sbarrier.arrive $0xFFFF  }
0x110: {  	_ =	strace $0x9000004A  }
0x111: {  	s0 =	stileid.u32;
	[bflag:$0x2] =	sbarrier.arrive $0xFFFF  }
0x112: {  	p0 =	sne.s32 s0, $0x0;
	s0 =	rddreg [dreg:$0x3]  }
0x113: {  	s0 =	sadd.s32 @!p0 $0x100000, s0  }
0x114: {  	[sflag:s0] =	ssyncadd.tile.s32 @!p0 $0x1;
	_ =	shalt  }
.Lfunc_end2:
_tile_overlayer_lowered:
.L_overlay_start_2:
0x115: {  	(tag) =	ssettag $0x2  }
0x116: {  	s0 =	rddreg [dreg:$0x0];
	s2 =	stileid.u32  }
0x117: {  	s1 =	rddreg [dreg:$0x1];
	p0 =	sne.s32 s2, $0x0  }
0x118: {  	s3 =	rddreg [dreg:$0x2];
	[bflag:$0x3] =	sbarrier.arrive $0xFFFF;
	s2 =	simm.s32 @!p0 $0x1C03  }
0x119: {  	[timem:s3], [sflag:s2] =	dma.local @!p0 [hbm:s0], s1  }
0x11a: {  	s0 =	simm.s32 @!p0 $0x3  }
0x11b: {  	_ =	swait.ge @!p0 [sflag:s0], s1  }
0x11c: {  	s1 =	ssub.s32 @!p0 $0x0, s1;
	[sflag:s0] =	ssyncset.done @!p0 $0x0  }
0x11d: {  	[sflag:s0] =	ssyncadd.s32 @!p0 s1  }
0x11e: {  	[bflag:$0x3] =	sbarrier.arrive $0xFFFF  }
0x11f: {  	_ =	shalt  }

// kernel: kernel.4.cloned.1.call-start
scs
__scs_entry_jumppad:
0x0: {  	(pc) =	sbr.rel $0x88, $3  }
0x1: {  	(tag) =	ssettag $0x0;
	lr =	simm.s32 $0x1  }
0x2: {  	[smem:$0x3F9B] =	sst lr;
	_ =	strace $0xD0000000  }
0x3: {  	_ = 	snop  }
0x4: {  	_ = 	snop  }
0x5: {  	_ = 	snop  }
0x6: {  	_ = 	snop  }
0x7: {  	_ = 	snop  }
__scs_overlays_trampoline_lowered:
0x8: {  	[smem:$0x3FAA] =	sst s0  }
0x9: {  	[smem:$0x3FAB] =	sst s1  }
0xa: {  	[smem:$0x3FAC] =	sst s2  }
0xb: {  	[smem:$0x3FAD] =	sst s3  }
0xc: {  	[smem:$0x3FAE] =	sst s4  }
0xd: {  	[smem:$0x3FAF] =	sst s5  }
0xe: {  	[smem:$0x3FB0] =	sst s6  }
0xf: {  	[smem:$0x3FB1] =	sst s7  }
0x10: {  	[smem:$0x3FB2] =	sst s8  }
0x11: {  	[smem:$0x3FB3] =	sst s9;
	s0 =	simm.s32 @!p0 $0x0  }
0x12: {  	s1 =	sld [smem:$0x3F99];
	s0 =	simm.s32 @p0 $0x1  }
0x13: {  	[smem:$0x3FB4] =	sst s0;
	s0 =	simm.s32 @!p1 $0x0  }
0x14: {  	s2 =	sld [smem:$0x3F98];
	s0 =	simm.s32 @p1 $0x1  }
0x15: {  	[smem:$0x3FB5] =	sst s0;
	s0 =	simm.s32 @!p2 $0x0  }
0x16: {  	s3 =	sld [smem:$0x3FDB];
	s0 =	simm.s32 @p2 $0x1  }
0x17: {  	s4 =	simm.s32 $0x1BF5;
	[smem:$0x3FB7] =	sst s0  }
0x18: {  	s0 =	sld [smem:$0x3F9A];
	_ =	swait.ge [sflag:s4], $0x0  }
0x19: {  	s7 =	sld [smem:$0x3F9B]  }
0x1a: {  	s8 =	sadd.s32 $0xFFFFE003, lr  }
0x1b: {  	s9 =	sadd.s32 $0xFFFFFEF7, lr;
	s5 =	simm.s32 $0xFFFFFFFF;
	p2 =	slt.u32 s8, $0xFFFFF086  }
0x1c: {  	p1 =	slt.u32 s9, $0xF7A;
	s5 =	simm.s32 @!p2 $0x0  }
0x1d: {  	s5 =	simm.s32 @p1 $0x1;
	p0 =	seq.s32 s7, s2  }
0x1e: {  	s7 =	smul.u32 @!p0 $0xF7A, s2;
	p2 =	seq.s32 @!p0 s5, $0x0  }
0x1f: {  	s9 =	smul.u32 $0xF7A, s1;
	s8 =	simm.s32 @!p0 $0x1BF5;
	p2 =	por !p2, p0  }
0x20: {  	[sflag:s8] =	ssyncset.s32 @!p0 $0xFFFFF086;
	s6 =	sadd.s32 @!p0 s3, s7;
	s7 =	simm.s32 @!p0 $0x108  }
0x21: {  	s3 =	sadd.s32 s3, s9;
	s6 =	sadd.s32 @!p0 $0x88, s6;
	s7 =	simm.s32 @p2 $0x1082  }
0x22: {  	[simem:s7], [sflag:s8] =	dma.local @!p0 [hbm:s6], $0xF7A  }
0x23: {  	s9 =	sor.u32 $0xD0000000, s2;
	s6 =	simm.s32 $0x108;
	_ =	swait.ge @!p0 [sflag:s8], $0x0  }
0x24: {  	s3 =	sadd.s32 $0x88, s3;
	s6 =	simm.s32 @!p1 $0x1082;
	[sflag:s4] =	ssyncset.s32 $0xFFFFF086  }
0x25: {  	[simem:s6], [sflag:s4] =	dma.local [hbm:s3], $0xF7A  }
0x26: {  	[smem:$0x3F9B] =	sst s1;
	(tag) =	ssettag s2;
	_ =	strace s9  }
0x27: {  	s1 =	sld [smem:$0x3FAB]  }
0x28: {  	s2 =	sld [smem:$0x3FAC]  }
0x29: {  	s4 =	sld [smem:$0x3FAE]  }
0x2a: {  	p0 =	seq.s32 s5, $0x0;
	s5 =	sld [smem:$0x3FAF]  }
0x2b: {  	s6 =	sld [smem:$0x3FB0]  }
0x2c: {  	s7 =	sld [smem:$0x3FB1]  }
0x2d: {  	s3 =	simm.s32 $0x108;
	s8 =	sld [smem:$0x3FB2]  }
0x2e: {  	s3 =	simm.s32 @!p0 $0x1082;
	s9 =	sld [smem:$0x3FB3]  }
0x2f: {  	lr =	sadd.s32 s0, s3;
	s0 =	sld [smem:$0x3FAA]  }
0x30: {  	s3 =	sld [smem:$0x3FAD]  }
0x31: {  	[smem:$0x3FB6] =	sst s10  }
0x32: {  	s10 =	sld [smem:$0x3FB4];
	_ =	sdelay $0x3  }
0x33: {  	p0 =	seq.s32 s10, $0x1;
	s10 =	sld [smem:$0x3FB6];
	_ =	sdelay $0x3  }
0x34: {  	[smem:$0x3FB6] =	sst s10  }
0x35: {  	s10 =	sld [smem:$0x3FB5];
	_ =	sdelay $0x3  }
0x36: {  	p1 =	seq.s32 s10, $0x1;
	s10 =	sld [smem:$0x3FB6];
	_ =	sdelay $0x3  }
0x37: {  	[smem:$0x3FB6] =	sst s10  }
0x38: {  	s10 =	sld [smem:$0x3FB7]  }
0x39: {  	_ = 	snop;
	(pc) =	sbr.ind lr, $3  }
0x3a: {  	_ = 	snop  }
0x3b: {  	_ = 	snop  }
0x3c: {  	p2 =	seq.s32 s10, $0x1;
	s10 =	sld [smem:$0x3FB6]  }
0x3d: {  	_ =	shalt  }
0x3e: {  	_ =	shalt  }
0x3f: {  	_ =	shalt  }
0x40: {  	_ =	shalt  }
0x41: {  	_ =	shalt  }
0x42: {  	_ =	shalt  }
0x43: {  	_ =	shalt  }
0x44: {  	_ =	shalt  }
0x45: {  	_ =	shalt  }
0x46: {  	_ =	shalt  }
0x47: {  	_ =	shalt  }
0x48: {  	_ =	shalt  }
0x49: {  	_ =	shalt  }
0x4a: {  	_ =	shalt  }
0x4b: {  	_ =	shalt  }
0x4c: {  	_ =	shalt  }
0x4d: {  	_ =	shalt  }
0x4e: {  	_ =	shalt  }
0x4f: {  	_ =	shalt  }
0x50: {  	_ =	shalt  }
0x51: {  	_ =	shalt  }
0x52: {  	_ =	shalt  }
0x53: {  	_ =	shalt  }
0x54: {  	_ =	shalt  }
0x55: {  	_ =	shalt  }
0x56: {  	_ =	shalt  }
0x57: {  	_ =	shalt  }
0x58: {  	_ =	shalt  }
0x59: {  	_ =	shalt  }
0x5a: {  	_ =	shalt  }
0x5b: {  	_ =	shalt  }
0x5c: {  	_ =	shalt  }
0x5d: {  	_ =	shalt  }
0x5e: {  	_ =	shalt  }
0x5f: {  	_ =	shalt  }
0x60: {  	_ =	shalt  }
0x61: {  	_ =	shalt  }
0x62: {  	_ =	shalt  }
0x63: {  	_ =	shalt  }
0x64: {  	_ =	shalt  }
0x65: {  	_ =	shalt  }
0x66: {  	_ =	shalt  }
0x67: {  	_ =	shalt  }
0x68: {  	_ =	shalt  }
0x69: {  	_ =	shalt  }
0x6a: {  	_ =	shalt  }
0x6b: {  	_ =	shalt  }
0x6c: {  	_ =	shalt  }
0x6d: {  	_ =	shalt  }
0x6e: {  	_ =	shalt  }
0x6f: {  	_ =	shalt  }
0x70: {  	_ =	shalt  }
0x71: {  	_ =	shalt  }
0x72: {  	_ =	shalt  }
0x73: {  	_ =	shalt  }
0x74: {  	_ =	shalt  }
0x75: {  	_ =	shalt  }
0x76: {  	_ =	shalt  }
0x77: {  	_ =	shalt  }
0x78: {  	_ =	shalt  }
0x79: {  	_ =	shalt  }
0x7a: {  	_ =	shalt  }
0x7b: {  	_ =	shalt  }
0x7c: {  	_ =	shalt  }
0x7d: {  	_ =	shalt  }
0x7e: {  	_ =	shalt  }
0x7f: {  	_ =	shalt  }
0x80: {  	_ =	shalt  }
0x81: {  	_ =	shalt  }
0x82: {  	_ =	shalt  }
0x83: {  	_ =	shalt  }
0x84: {  	_ =	shalt  }
0x85: {  	_ =	shalt  }
0x86: {  	_ =	shalt  }
0x87: {  	_ =	shalt  }
.Lfunc_end0:
.L_simem_size_0:
called_computation.1_lowered:
.L_overlay_start_0:
0x88: {  	s2 =	sld [smem:$0x3FD9]  }
0x89: {  	s3 =	sld [smem:$0x3FFE];
	_ =	sdelay $0x1  }
0x8a: {  	s1 =	srdreg.scid  }
0x8b: {  	s0 =	sand.u32 $0x1, s1  }
0x8c: {  	s17 =	sshll.u32 s0, $0xA;
	s2 =	sadd.s32 s3, s2  }
0x8d: {  	s2 =	sadd.s32 s2, s17  }
0x8e: {  	[smem:$0x3FC2] =	sst s2  }
0x8f: {  	_ = 	snop  }
0x90: {  	s2 =	sld [smem:$0x3FD0];
	(tm) =	ssettm $0x1  }
0x91: {  	s18 =	sld [smem:$0x3FFB];
	_ =	sdelay $0x3  }
0x92: {  	_ =	strace s18  }
0x93: {  	s3 =	sld [smem:$0x3FFC];
	_ =	sdelay $0x3  }
0x94: {  	_ =	strace s3  }
0x95: {  	s3 =	sld [smem:$0x3FFD];
	_ =	sdelay $0x3  }
0x96: {  	_ =	strace s3  }
0x97: {  	_ =	strace $0x8FFFFFFF  }
0x98: {  	s19 =	sld [smem:$0x3FDB];
	_ =	sdelay $0x1  }
0x99: {  	s4 =	simm.s32 $_scs_section_size  }
0x9a: {  	s5 =	simm.s32 $_size__tile_overlayer_lowered;
	s6 =	simm.s32 $_tile_overlayer_lowered  }
0x9b: {  	s22 =	simm.s32 $0x1BFF;
	s21 =	sshll.u32 s6, $0x1;
	s3 =	sadd.s32 s4, s19  }
0x9c: {  	s7 =	simm.s32 $0x0;
	s20 =	sshll.u32 s5, $0x1;
	s5 =	sadd.s32 s21, s3  }
0x9d: {  	[timem:s7], [sflag:s22] =	dma.local [hbm:s5], s20  }
0x9e: {  	_ =	swait.ge [sflag:s22], s20  }
0x9f: {  	s4 =	ssub.s32 $0x0, s20;
	[sflag:s22] =	ssyncset.done $0x0  }
0xa0: {  	[sflag:s22] =	ssyncadd.s32 s4;
	_ =	sdelay $0x1  }
0xa1: {  	s23 =	simm.s32 $0x1B8B  }
0xa2: {  	_ =	swait.ge [sflag:s23], $0x1  }
0xa3: {  	[sflag:s23] =	ssyncset.done $0x0  }
0xa4: {  	s25 =	simm.s32 $0x1B8E;
	s24 =	sld [smem:$0x3FFE];
	[sflag:s23] =	ssyncadd.s32 $0xFFFFFFFF  }
0xa5: {  	s26 =	simm.s32 $execute0_lowered;
	[smem:$0x3FD2] =	sst s25  }
0xa6: {  	s5 =	sshll.u32 s26, $0x1;
	_ =	strace $0x80000046;
	[dreg:$0x1] =	wrdreg $0xFFFFFFFF  }
0xa7: {  	s28 =	simm.s32 $_size_execute0_lowered;
	s3 =	sadd.s32 s3, s5;
	[dreg:$0x0] =	wrdreg $0x0  }
0xa8: {  	s5 =	sshll.u32 s28, $0x1;
	[dreg:$0x2] =	wrdreg s3  }
0xa9: {  	[dreg:$0x3] =	wrdreg s5  }
0xaa: {  	[dreg:$0x4] =	wrdreg $0xC0  }
0xab: {  	_ =	task [dreg:s7], $0x5FFFF  }
0xac: {  	[dreg:$0x1] =	wrdreg $0xFFFFFFFF  }
0xad: {  	[dreg:$0x0] =	wrdreg $0x60  }
0xae: {  	[dreg:$0x2] =	wrdreg s2  }
0xaf: {  	[dreg:$0x3] =	wrdreg s24  }
0xb0: {  	[dreg:$0x4] =	wrdreg $0x48800  }
0xb1: {  	[dreg:$0x5] =	wrdreg $0x9  }
0xb2: {  	_ =	task.clear_ibuf [dreg:s7], $0x6FFFF;
	_ =	strace $0x90000046  }
0xb3: {  	s29 =	simm.s32 $0x9;
	_ =	strace $0x80000048  }
0xb4: {  	_ =	swait.ge [sflag:s29], $0x1  }
0xb5: {  	[sflag:s29] =	ssyncadd.s32 $0xFFFFFFFF  }
0xb6: {  	_ =	strace $0x90000048  }
0xb7: {  	_ =	sfence  }
0xb8: {  	s30 =	sld [smem:$0x0];
	_ =	sdelay $0x2  }
0xb9: {  	s31 =	sshll.u32 s1, $0xD;
	s1 =	sshrl.u32 s1, $0x2  }
0xba: {  	s3 =	sand.u32 $0x4000, s31;
	s1 =	sadd.s32 s1, s30  }
0xbb: {  	s0 =	sor.u32 s3, s0;
	s1 =	sshll.u32 s1, $0x11  }
0xbc: {  	s0 =	sor.u32 s1, s0  }
0xbd: {  	s0 =	sadd.s32 $0x8F2B, s0  }
0xbe: {  	[sflag:s0] =	ssyncadd.remote.s32 $0x1  }
0xbf: {  	_ =	sfence.sel $0xFFFF  }
0xc0: {  	[dreg:$0x0] =	wrdreg $0xFFFFFFFF;
	(pc) =	sbr.abs _section_cstart, $3  }
0xc1: {  	[dreg:$0x1] =	wrdreg $0xFFFFFFFF  }
0xc2: {  	_ =	task.clear_ibuf [dreg:s7], $0x2FFFF;
	_ =	strace $0x9FFFFFFF  }
0xc3: {  	(tm) =	ssettm $0x7FFFFFFF  }
tec
execute0_lowered:
.L_overlay_start_1:
0x0: {  	(tag) =	ssettag $0x1  }
0x1: {  	s6 =	rddreg [dreg:$0x0]  }
0x2: {  	s4 =	rddreg [dreg:$0x1]  }
0x3: {  	s2 =	rddreg [dreg:$0x2];
	s1 =	stileid.u32  }
0x4: {  	s0 =	rddreg [dreg:$0x3];
	s7 =	smul.u32 $0x2800, s1  }
0x5: {  	s5 =	srdreg.scid;
	s3 =	simm.s32 $0x0;
	s9 =	smul.u32 $0x50000, s1  }
0x6: {  	s13 =	simm.s32 $0x0;
	s5 =	sand.u32 $0x1, s5;
	s10 =	smul.u32 $0xA00, s1  }
0x7: {  	[smem:$0x7FF] =	sst s3;
	s11 =	sshll.u32 s1, $0x6;
	s8 =	smul.u32 $0x28000, s5  }
0x8: {  	_ =	strace $0x80000047;
	s26 =	ssub.s32 $0x2, s5;
	s30 =	smul.u32 $0x500, s5  }
0x9: {  	s11 =	sor.u32 $0x1C01, s11;
	s28 =	sshrl.u32 s26, $0x1;
	s29 =	sshrl.u32 s9, $0x2  }
0xa: {  	s31 =	sadd.s32 s10, s6;
	s9 =	simm.s32 $0x1;
	s7 =	sadd.s32 s7, s8  }
0xb: {  	s10 =	simm.s32 $0x80;
	s8 =	ssub.s32 s26, s28;
	s7 =	sadd.s32 s7, s4  }
0xc: {  	s4 =	sadd.s32 s29, s2;
	s6 =	smax.u32 s8, $0x1;
	s8 =	simm.s32 $0x4080  }
0xd: {  	v0 =	vimm.f32 $1.000000000e+00;
	v1 =	vimm.f32 $0.0e+00;
	s5 =	sadd.s32 $0x2C00, s7;
	s7 =	sadd.s32 s30, s31;
	s12 =	sshrl.u32 s4, $0x3  }
.LBB2_1:
0xe: {  	s14 =	simm.s32 $0x200;
	s15 =	simm.s32 $0x0  }
.LBB2_2:
0xf: {  	p0 =	sne.s32 s14, $0xFE00;
	[tilespmem:s15+$0x80] =	vst v0;
	s15 =	smov.u32 s14;
	s14 =	sadd.s32 $0x200, s14  }
.Ltmp0:
0x10: {  	(pc) =	sbr.rel @p0 .LBB2_2-.Ltmp0, $2  }
0x11: {  	_ =	sdelay $0x2  }
0x12: {  	s15 =	sshra.s32 s15, $0x2  }
0x13: {  	[tilespmem:s15+$0x80] =	vst v0  }
0x14: {  	[tilespmem:$0x4080] =	vst v1  }
0x15: {  	[tilespmem:$0x4100] =	vst v1  }
0x16: {  	[tilespmem:$0x4180] =	vst v1  }
0x17: {  	[tilespmem:$0x4200] =	vst v1  }
0x18: {  	[tilespmem:$0x4280] =	vst v1  }
0x19: {  	[tilespmem:$0x4300] =	vst v1  }
0x1a: {  	[tilespmem:$0x4380] =	vst v1  }
0x1b: {  	[tilespmem:$0x4400] =	vst v1  }
0x1c: {  	[tilespmem:$0x4480] =	vst v1  }
0x1d: {  	[tilespmem:$0x4500] =	vst v1  }
0x1e: {  	[tilespmem:$0x4580] =	vst v1  }
0x1f: {  	[tilespmem:$0x4600] =	vst v1  }
0x20: {  	[tilespmem:$0x4680] =	vst v1  }
0x21: {  	[tilespmem:$0x4700] =	vst v1  }
0x22: {  	[tilespmem:$0x4780] =	vst v1  }
0x23: {  	s14 =	sadd.s32 $0x0, s4;
	[tilespmem:$0x4800] =	vst v1  }
0x24: {  	[spmem:s14] =	stream.linear.scatter [tilespmem:s8], [sflag:$0x1], $0x800, $0x38;
	[tilespmem:$0x7080] =	vst v63  }
0x25: {  	s14 =	simm.s32 $0x2000;
	_ =	swait.ge [sflag:s9], $0x800  }
.LBB2_4:
0x26: {  	s15 =	sshra.s32 s14, $0x2;
	[sflag:s9] =	ssyncset.done $0x0;
	p0 =	sne.s32 s14, $0x4E000  }
.Ltmp1:
0x27: {  	s15 =	sadd.s32 s15, s4;
	[sflag:s9] =	ssyncadd.s32 $0xFFFFF800;
	(pc) =	sbr.rel @p0 .LBB2_4-.Ltmp1, $3  }
0x28: {  	[spmem:s15] =	stream.linear.scatter [tilespmem:s8], [sflag:$0x1], $0x800, $0x38;
	[tilespmem:$0x7080] =	vst v63  }
0x29: {  	s14 =	sadd.s32 $0x2000, s14;
	_ =	sdelay $0x1  }
0x2a: {  	_ =	swait.ge [sflag:s9], $0x800  }
0x2b: {  	[sflag:s9] =	ssyncset.done $0x0  }
0x2c: {  	[sflag:s9] =	ssyncadd.s32 $0xFFFFF800  }
0x2d: {  	s14 =	sadd.s32 $0x0, s7;
	[bflag:$0x0] =	sbarrier.arrive $0xFFFF  }
0x2e: {  	[tilespmem:s3], [sflag:$0x1] =	stream.linear.gather [hbm4b:s14+s3], $0x80, $0x38;
	[tilespmem:$0x7080] =	vst v63  }
0x2f: {  	_ =	swait.ge [sflag:s9], $0x80  }
0x30: {  	[sflag:s9] =	ssyncset.done $0x0  }
0x31: {  	[sflag:s9] =	ssyncadd.s32 $0xFFFFFF80  }
0x32: {  	[spmem:s2] =	stream.indirect.scatter.add.f32 [tilespmem:s10], [sflag:$0x1], $0x10, s3, s10, $0xb8;
	[tilespmem:$0x7080] =	vst v63  }
0x33: {  	_ =	swait.ge [sflag:s9], $0x800  }
0x34: {  	s15 =	simm.s32 $0x20;
	s14 =	simm.s32 $0x10;
	[sflag:s9] =	ssyncset.done $0x0  }
.LBB2_6:
0x35: {  	s16 =	sadd.s32 s14, s7  }
0x36: {  	[sflag:s9] =	ssyncadd.s32 $0xFFFFF800;
	s14 =	smov.u32 s15;
	s17 =	sadd.s32 $0x10, s15  }
0x37: {  	[tilespmem:s3], [sflag:$0x1] =	stream.linear.gather [hbm4b:s16+s3], $0x80, $0x38;
	[tilespmem:$0x7080] =	vst v63  }
0x38: {  	p0 =	sne.s32 s15, $0x4F0;
	_ =	swait.ge [sflag:s9], $0x80  }
.Ltmp2:
0x39: {  	[sflag:s9] =	ssyncset.done $0x0;
	(pc) =	sbr.rel @p0 .LBB2_6-.Ltmp2, $4  }
0x3a: {  	[sflag:s9] =	ssyncadd.s32 $0xFFFFFF80  }
0x3b: {  	[spmem:s2] =	stream.indirect.scatter.add.f32 [tilespmem:s10], [sflag:$0x1], $0x10, s3, s10, $0xb8;
	[tilespmem:$0x7080] =	vst v63  }
0x3c: {  	_ =	swait.ge [sflag:s9], $0x800  }
0x3d: {  	s15 =	smov.u32 s17;
	[sflag:s9] =	ssyncset.done $0x0  }
0x3e: {  	s14 =	sadd.s32 s14, s7;
	[sflag:s9] =	ssyncadd.s32 $0xFFFFF800  }
0x3f: {  	[tilespmem:s3], [sflag:$0x1] =	stream.linear.gather [hbm4b:s14+s3], $0x80, $0x38;
	[tilespmem:$0x7080] =	vst v63  }
0x40: {  	_ =	swait.ge [sflag:s9], $0x80  }
0x41: {  	[sflag:s9] =	ssyncset.done $0x0  }
0x42: {  	[sflag:s9] =	ssyncadd.s32 $0xFFFFFF80  }
0x43: {  	[spmem:s2] =	stream.indirect.scatter.add.f32 [tilespmem:s10], [sflag:$0x1], $0x10, s3, s10, $0xb8;
	[tilespmem:$0x7080] =	vst v63  }
0x44: {  	_ =	swait.ge [sflag:s9], $0x800  }
0x45: {  	s13 =	sadd.s32 $0x1, s13;
	[sflag:s9] =	ssyncset.done $0x0  }
0x46: {  	p0 =	sne.s32 s13, s6;
	[sflag:s9] =	ssyncadd.s32 $0xFFFFF800  }
.Ltmp3:
0x47: {  	[bflag:$0x0] =	sbarrier.arrive $0xFFFF;
	(pc) =	sbr.rel @p0 .LBB2_1-.Ltmp3, $4  }
0x48: {  	[hbm:s5], [sflag:s11] =	dma.local [spmem:s12], $0x2800  }
0x49: {  	_ =	swait.ge [sflag:s9], $0x2800  }
0x4a: {  	[sflag:s9] =	ssyncset.done $0x0  }
0x4b: {  	[sflag:s9] =	ssyncadd.s32 $0xFFFFD800  }
0x4c: {  	_ =	sfence.sel $0x180000  }
0x4d: {  	[bflag:$0x0] =	sbarrier.arrive $0xFFFF  }
0x4e: {  	p0 =	sne.s32 s1, $0x0;
	_ =	strace $0x90000047  }
0x4f: {  	s0 =	sadd.s32 @!p0 $0x100000, s0;
	[bflag:$0x2] =	sbarrier.arrive $0xFFFF  }
0x50: {  	[sflag:s0] =	ssyncadd.tile.s32 @!p0 $0x1;
	_ =	shalt  }
.Lfunc_end2:
_tile_overlayer_lowered:
.L_overlay_start_2:
0x51: {  	(tag) =	ssettag $0x2  }
0x52: {  	s0 =	rddreg [dreg:$0x0];
	s2 =	stileid.u32  }
0x53: {  	s1 =	rddreg [dreg:$0x1];
	p0 =	sne.s32 s2, $0x0  }
0x54: {  	s3 =	rddreg [dreg:$0x2];
	[bflag:$0x3] =	sbarrier.arrive $0xFFFF;
	s2 =	simm.s32 @!p0 $0x1C01  }
0x55: {  	[timem:s3], [sflag:s2] =	dma.local @!p0 [hbm:s0], s1  }
0x56: {  	s0 =	simm.s32 @!p0 $0x1  }
0x57: {  	_ =	swait.ge @!p0 [sflag:s0], s1  }
0x58: {  	s1 =	ssub.s32 @!p0 $0x0, s1;
	[sflag:s0] =	ssyncset.done @!p0 $0x0  }
0x59: {  	[sflag:s0] =	ssyncadd.s32 @!p0 s1  }
0x5a: {  	[bflag:$0x3] =	sbarrier.arrive $0xFFFF  }
0x5b: {  	_ =	shalt  }

</sc_bundles>
